<compile_context>
chip_gen: v7x
topology: tpu7x:2x2x1
jax: 0.10.2.dev20260603
libtpu: 0.0.44.dev20260713+nightly
codegen_flags: <defaults>
</compile_context>

<pallas_src>
import functools

import jax
import jax.numpy as jnp
from jax import lax
from jax.experimental import pallas as pl
from jax.experimental.pallas import tpu as pltpu
from jax.experimental.pallas import tpu_sc as plsc

N = 10000
E = 160000
D = 256
DH = 128
NPAD = 10240
EPAD = 163840
CH = 128
NC = 2
NS = 16
RPT = NPAD // NS


def _sc_degree(dst2, zeros, ones128):
    n_rows = EPAD // CH // (NC * NS)

    mesh = plsc.VectorSubcoreMesh(core_axis_name="c", subcore_axis_name="s")

    @functools.partial(
        pl.kernel,
        mesh=mesh,
        out_type=jax.ShapeDtypeStruct((NC * NPAD, DH), jnp.float32),
        scratch_types=[
            pltpu.VMEM((n_rows, CH), jnp.int32),
            pltpu.VMEM((CH, DH), jnp.float32),
            pltpu.VMEM_SHARED((NPAD, DH), jnp.float32),
        ],
    )
    def k(dst_hbm, z_hbm, ones_hbm, out_hbm, didx, ones_v, acc):
        c = lax.axis_index("c")
        s = lax.axis_index("s")
        wid = s * NC + c
        r0 = s * RPT
        pltpu.sync_copy(z_hbm, acc.at[pl.ds(r0, RPT)])
        pltpu.sync_copy(ones_hbm, ones_v)
        pltpu.sync_copy(dst_hbm.at[pl.ds(wid * n_rows, n_rows)], didx)
        plsc.subcore_barrier()

        def chunk(kk, carry):
            pltpu.sync_copy(ones_v, acc.at[didx.at[kk]], add=True)
            return carry

        lax.fori_loop(0, n_rows, chunk, 0)
        plsc.subcore_barrier()
        pltpu.sync_copy(acc.at[pl.ds(r0, RPT)],
                        out_hbm.at[pl.ds(c * NPAD + r0, RPT)])

    return k(dst2, zeros, ones128)


def _tc_u(x, W, p3):
    R = 400
    G = N // R

    def body(x_ref, w_ref, p0_ref, p1_ref, u0_ref, u1_ref):
        deg = 1.0 + p0_ref[0, :, 0:1] + p1_ref[0, :, 0:1]
        dinv = lax.rsqrt(deg)
        h = jnp.dot(x_ref[...], w_ref[...], preferred_element_type=jnp.float32)
        u = dinv * h
        u0_ref[...] = u[:, :DH]
        u1_ref[...] = u[:, DH:]

    return pl.pallas_call(
        body,
        grid=(G,),
        in_specs=[
            pl.BlockSpec((R, D), lambda i: (i, 0)),
            pl.BlockSpec((D, D), lambda i: (0, 0)),
            pl.BlockSpec((1, R, DH), lambda i: (0, i, 0)),
            pl.BlockSpec((1, R, DH), lambda i: (1, i, 0)),
        ],
        out_specs=[
            pl.BlockSpec((R, DH), lambda i: (i, 0)),
            pl.BlockSpec((R, DH), lambda i: (i, 0)),
        ],
        out_shape=[jax.ShapeDtypeStruct((N, DH), jnp.float32)] * 2,
    )(x, W, p3, p3)


def _sc_agg(u0, u1, src2, dst2, zeros):
    n_rows = EPAD // CH // NS
    half = n_rows // 2

    mesh = plsc.VectorSubcoreMesh(core_axis_name="c", subcore_axis_name="s")

    @functools.partial(
        pl.kernel,
        mesh=mesh,
        out_type=jax.ShapeDtypeStruct((NC * NPAD, DH), jnp.float32),
        scratch_types=[
            pltpu.VMEM((half, CH), jnp.int32),
            pltpu.VMEM((half, CH), jnp.int32),
            pltpu.VMEM((CH, DH), jnp.float32),
            pltpu.VMEM((CH, DH), jnp.float32),
            pltpu.VMEM_SHARED((NPAD, DH), jnp.float32),
            pltpu.SemaphoreType.DMA,
            pltpu.SemaphoreType.DMA,
        ],
    )
    def k(u0_hbm, u1_hbm, src_hbm, dst_hbm, z_hbm, out_hbm,
          sidx, didx, rows0, rows1, acc, sem0, sem1):
        c = lax.axis_index("c")
        s = lax.axis_index("s")
        r0 = s * RPT
        pltpu.sync_copy(z_hbm, acc.at[pl.ds(r0, RPT)])
        plsc.subcore_barrier()

        def run(u_hbm):
            for h in range(2):
                base = s * n_rows + h * half
                pltpu.sync_copy(src_hbm.at[pl.ds(base, half)], sidx)
                pltpu.sync_copy(dst_hbm.at[pl.ds(base, half)], didx)
                pltpu.async_copy(u_hbm.at[sidx.at[0]], rows0, sem0)
                pltpu.async_copy(u_hbm.at[sidx.at[1]], rows1, sem1)

                def body(j, carry):
                    kk = 2 * j
                    pltpu.make_async_copy(u_hbm.at[sidx.at[kk]], rows0,
                                          sem0).wait()
                    pltpu.sync_copy(rows0, acc.at[didx.at[kk]], add=True)

                    @pl.when(j + 1 < half // 2)
                    def _():
                        pltpu.async_copy(u_hbm.at[sidx.at[kk + 2]], rows0,
                                         sem0)

                    pltpu.make_async_copy(u_hbm.at[sidx.at[kk + 1]], rows1,
                                          sem1).wait()
                    pltpu.sync_copy(rows1, acc.at[didx.at[kk + 1]], add=True)

                    @pl.when(j + 1 < half // 2)
                    def _():
                        pltpu.async_copy(u_hbm.at[sidx.at[kk + 3]], rows1,
                                         sem1)

                    return carry

                lax.fori_loop(0, half // 2, body, 0)

        @pl.when(c == 0)
        def _():
            run(u0_hbm)

        @pl.when(c == 1)
        def _():
            run(u1_hbm)

        plsc.subcore_barrier()
        pltpu.sync_copy(acc.at[pl.ds(r0, RPT)],
                        out_hbm.at[pl.ds(c * NPAD + r0, RPT)])

    return k(u0, u1, src2, dst2, zeros)


def _tc_final(p3, agg3, u0, u1, b2, a2):
    R = 400
    G = N // R

    def body(p0_ref, p1_ref, a0_ref, a1_ref, u0_ref, u1_ref, b_ref, al_ref,
             o_ref):
        deg = 1.0 + p0_ref[0, :, 0:1] + p1_ref[0, :, 0:1]
        dinv = lax.rsqrt(deg)
        al = al_ref[0, 0]
        v0 = dinv * (a0_ref[0] + u0_ref[...]) + b_ref[:, :DH]
        v1 = dinv * (a1_ref[0] + u1_ref[...]) + b_ref[:, DH:]
        o_ref[:, :DH] = jnp.where(v0 >= 0, v0, al * v0)
        o_ref[:, DH:] = jnp.where(v1 >= 0, v1, al * v1)

    return pl.pallas_call(
        body,
        grid=(G,),
        in_specs=[
            pl.BlockSpec((1, R, DH), lambda i: (0, i, 0)),
            pl.BlockSpec((1, R, DH), lambda i: (1, i, 0)),
            pl.BlockSpec((1, R, DH), lambda i: (0, i, 0)),
            pl.BlockSpec((1, R, DH), lambda i: (1, i, 0)),
            pl.BlockSpec((R, DH), lambda i: (i, 0)),
            pl.BlockSpec((R, DH), lambda i: (i, 0)),
            pl.BlockSpec((1, D), lambda i: (0, 0)),
            pl.BlockSpec((1, 1), lambda i: (0, 0)),
        ],
        out_specs=pl.BlockSpec((R, D), lambda i: (i, 0)),
        out_shape=jax.ShapeDtypeStruct((N, D), jnp.float32),
    )(p3, p3, agg3, agg3, u0, u1, b2, a2)


def kernel(x, edge_index, W, b, a):
    src = edge_index[0]
    dst = edge_index[1]
    npd = EPAD - E
    pad_src = jnp.arange(npd, dtype=jnp.int32) % N
    pad_dst = N + (jnp.arange(npd, dtype=jnp.int32) % (NPAD - N))
    src2 = jnp.concatenate([src, pad_src]).reshape(EPAD // CH, CH)
    dst2 = jnp.concatenate([dst, pad_dst]).reshape(EPAD // CH, CH)
    ones128 = jnp.ones((CH, DH), jnp.float32)
    zeros = jnp.zeros((RPT, DH), jnp.float32)

    p = _sc_degree(dst2, zeros, ones128)
    p3 = p.reshape(NC, NPAD, DH)
    u0, u1 = _tc_u(x, W, p3)
    agg = _sc_agg(u0, u1, src2, dst2, zeros)
    agg3 = agg.reshape(NC, NPAD, DH)
    return _tc_final(p3, agg3, u0, u1, b.reshape(1, D), a.reshape(1, 1))

# --- scband reference (transcript-rebuilt; emitter-appended) ---
"""Pipeline reference for scband-gcn-12489764897134 (READ-ONLY COPY).

The authoritative reference and input builder live on the scoring server;
editing this copy changes nothing except your own understanding.
"""

import jax, jax.numpy as jnp
import numpy as np

N = 10000
E = 160000
D_IN = 256
D_OUT = 256


def setup_inputs(seed: int = 0) -> dict:
    key = jax.random.key(seed)
    k1, k2, k3 = jax.random.split(key, 3)
    x = jax.random.normal(k1, (N, D_IN), dtype=jnp.float32)
    edge_index = jax.random.randint(k2, (2, E), 0, N, dtype=jnp.int32)
    # GCNConv linear weight (glorot-ish) and bias
    W = jax.random.normal(k3, (D_IN, D_OUT), dtype=jnp.float32) * (1.0 / np.sqrt(D_IN))
    b = jnp.zeros((D_OUT,), dtype=jnp.float32)
    # PReLU single learnable slope, torch default init 0.25
    a = jnp.array(0.25, dtype=jnp.float32)
    return {"x": x, "edge_index": edge_index, "W": W, "b": b, "a": a}


def reference(x, edge_index, W, b, a):
    # GCNConv: add self-loops, symmetric normalization, linear transform, scatter-add aggregate
    src = edge_index[0]
    dst = edge_index[1]
    loop = jnp.arange(N, dtype=edge_index.dtype)
    src = jnp.concatenate([src, loop], axis=0)
    dst = jnp.concatenate([dst, loop], axis=0)
    # degree computed over destination nodes (including self-loops)
    deg = jnp.zeros((N,), dtype=jnp.float32).at[dst].add(1.0)
    dinv = jnp.where(deg > 0, jax.lax.rsqrt(deg), 0.0)
    norm = dinv[src] * dinv[dst]
    h = x @ W
    msg = norm[:, None] * jnp.take(h, src, axis=0)
    out = jnp.zeros((N, D_OUT), dtype=jnp.float32).at[dst].add(msg)
    out = out + b
    # PReLU activation
    return jnp.where(out >= 0, out, a * out)

if __name__ == "__main__":
    import jax
    _d = setup_inputs()
    print(jax.jit(kernel)(*tuple(_d.values())))

</pallas_src>

<mosaic_0001>
#map = affine_map<(d0, d1) -> (0, 0)>
module attributes {stable_mosaic.version = 14 : i64} {
  func.func @k(%arg0: i32, %arg1: i32, %arg2: memref<1280x128xi32, #tpu.memory_space<hbm>>, %arg3: memref<640x128xf32, #tpu.memory_space<hbm>>, %arg4: memref<128x128xf32, #tpu.memory_space<hbm>>, %arg5: memref<20480x128xf32, #tpu.memory_space<hbm>>, %arg6: memref<40x128xi32, #tpu.memory_space<vmem>>, %arg7: memref<128x128xf32, #tpu.memory_space<vmem>>, %arg8: memref<10240x128xf32, #tpu.memory_space<vmem_shared>>) attributes {dimension_semantics = [#tpu.dimension_semantics<core_parallel>, #tpu.dimension_semantics<subcore_parallel>], iteration_bounds = array<i64: 2, 16>, scalar_prefetch = 0 : i64, scratch_operands = 3 : i64, tpu.core_type = #tpu.core_type<sc_vector_subcore>, window_params = [{transform_indices = #map}, {transform_indices = #map}, {transform_indices = #map}, {transform_indices = #map}]} {
    %mul3A = arith.constant 2 : i32
    %mul3A_0 = arith.muli %arg1, %mul3A : i32
    %add3A = arith.addi %mul3A_0, %arg0 : i32
    %mul3A_1 = arith.constant 640 : i32
    %mul3A_2 = arith.muli %arg1, %mul3A_1 : i32
    "tpu.region"() ({
      %run_scoped3A = tpu.sem_alloc : memref<!tpu.dma_semaphore, #tpu.memory_space<semaphore_mem>>
      %dma_start3A = arith.constant 0 : i32
      %dma_start3A_14 = tpu.memref_slice %arg8[%mul3A_2, %dma_start3A] : memref<10240x128xf32, #tpu.memory_space<vmem_shared>> -> memref<640x128xf32, #tpu.memory_space<vmem_shared>>
      tpu.enqueue_dma source(%arg3 : memref<640x128xf32, #tpu.memory_space<hbm>>) target(%dma_start3A_14 : memref<640x128xf32, #tpu.memory_space<vmem_shared>>) target_semaphore(%run_scoped3A : memref<!tpu.dma_semaphore, #tpu.memory_space<semaphore_mem>>)
      %dma_wait3A = arith.constant 0 : i32
      %dma_wait3A_15 = tpu.memref_slice %arg8[%mul3A_2, %dma_wait3A] : memref<10240x128xf32, #tpu.memory_space<vmem_shared>> -> memref<640x128xf32, #tpu.memory_space<vmem_shared>>
      tpu.wait_dma2 semaphore(%run_scoped3A : memref<!tpu.dma_semaphore, #tpu.memory_space<semaphore_mem>>) src(%arg3 : memref<640x128xf32, #tpu.memory_space<hbm>>) dst(%dma_wait3A_15 : memref<640x128xf32, #tpu.memory_space<vmem_shared>>)
      tpu.yield
    }) : () -> ()
    "tpu.region"() ({
      %run_scoped3A = tpu.sem_alloc : memref<!tpu.dma_semaphore, #tpu.memory_space<semaphore_mem>>
      tpu.enqueue_dma source(%arg4 : memref<128x128xf32, #tpu.memory_space<hbm>>) target(%arg7 : memref<128x128xf32, #tpu.memory_space<vmem>>) target_semaphore(%run_scoped3A : memref<!tpu.dma_semaphore, #tpu.memory_space<semaphore_mem>>)
      tpu.wait_dma2 semaphore(%run_scoped3A : memref<!tpu.dma_semaphore, #tpu.memory_space<semaphore_mem>>) src(%arg4 : memref<128x128xf32, #tpu.memory_space<hbm>>) dst(%arg7 : memref<128x128xf32, #tpu.memory_space<vmem>>)
      tpu.yield
    }) : () -> ()
    %mul3A_3 = arith.constant 40 : i32
    %mul3A_4 = arith.muli %add3A, %mul3A_3 : i32
    "tpu.region"() ({
      %run_scoped3A = tpu.sem_alloc : memref<!tpu.dma_semaphore, #tpu.memory_space<semaphore_mem>>
      %dma_start3A = arith.constant 0 : i32
      %dma_start3A_14 = tpu.memref_slice %arg2[%mul3A_4, %dma_start3A] : memref<1280x128xi32, #tpu.memory_space<hbm>> -> memref<40x128xi32, #tpu.memory_space<hbm>>
      %dma_start3A_15 = arith.constant 0 : i32
      %dma_start3A_16 = tpu.memref_slice %arg2[%mul3A_4, %dma_start3A_15] : memref<1280x128xi32, #tpu.memory_space<hbm>> -> memref<40x128xi32, #tpu.memory_space<hbm>>
      tpu.enqueue_dma source(%dma_start3A_16 : memref<40x128xi32, #tpu.memory_space<hbm>>) target(%arg6 : memref<40x128xi32, #tpu.memory_space<vmem>>) target_semaphore(%run_scoped3A : memref<!tpu.dma_semaphore, #tpu.memory_space<semaphore_mem>>)
      %dma_wait3A = arith.constant 0 : i32
      %dma_wait3A_17 = tpu.memref_slice %arg2[%mul3A_4, %dma_wait3A] : memref<1280x128xi32, #tpu.memory_space<hbm>> -> memref<40x128xi32, #tpu.memory_space<hbm>>
      %dma_wait3A_18 = arith.constant 0 : i32
      %dma_wait3A_19 = tpu.memref_slice %arg2[%mul3A_4, %dma_wait3A_18] : memref<1280x128xi32, #tpu.memory_space<hbm>> -> memref<40x128xi32, #tpu.memory_space<hbm>>
      tpu.wait_dma2 semaphore(%run_scoped3A : memref<!tpu.dma_semaphore, #tpu.memory_space<semaphore_mem>>) src(%dma_wait3A_19 : memref<40x128xi32, #tpu.memory_space<hbm>>) dst(%arg6 : memref<40x128xi32, #tpu.memory_space<vmem>>)
      tpu.yield
    }) : () -> ()
    %barrier3A = arith.constant 0 : index
    tpu.barrier barrier_id(%barrier3A)
    %scan3A = arith.constant 0 : i32
    %scan3A_5 = arith.constant 0 : i32
    %scan3A_6 = arith.constant 40 : i32
    %scan3A_7 = arith.addi %scan3A_5, %scan3A_6 : i32
    %scan3A_8 = arith.constant 1 : i32
    scf.for %scan3A_14 = %scan3A_5 to %scan3A_7 step %scan3A_8  : i32 {
      "tpu.region"() ({
        %run_scoped3A = tpu.sem_alloc : memref<!tpu.dma_semaphore, #tpu.memory_space<semaphore_mem>>
        %dma_start3A = arith.constant 0 : i32
        %dma_start3A_15 = tpu.memref_slice %arg6[%scan3A_14, %dma_start3A] : memref<40x128xi32, #tpu.memory_space<vmem>> -> memref<1x128xi32, #tpu.memory_space<vmem>>
        %dma_start3A_16 = tpu.memref_squeeze %dma_start3A_15 : memref<1x128xi32, #tpu.memory_space<vmem>> -> memref<128xi32, #tpu.memory_space<vmem>>
        %dma_start3A_17 = arith.constant 0 : i32
        %dma_start3A_18 = arith.constant 0 : i32
        %dma_start3A_19 = tpu.memref_slice %arg8[%dma_start3A_17, %dma_start3A_18] : memref<10240x128xf32, #tpu.memory_space<vmem_shared>> -> memref<10240x128xf32, #tpu.memory_space<vmem_shared>>
        tpu.enqueue_indirect_dma source(%arg7 : memref<128x128xf32, #tpu.memory_space<vmem>>) target(%dma_start3A_19 : memref<10240x128xf32, #tpu.memory_space<vmem_shared>>) offsets(%dma_start3A_16 : memref<128xi32, #tpu.memory_space<vmem>>) semaphore(%run_scoped3A : memref<!tpu.dma_semaphore, #tpu.memory_space<semaphore_mem>>) {add = true}
        %dma_wait3A = arith.constant 0 : i32
        %dma_wait3A_20 = tpu.memref_slice %arg6[%scan3A_14, %dma_wait3A] : memref<40x128xi32, #tpu.memory_space<vmem>> -> memref<1x128xi32, #tpu.memory_space<vmem>>
        %dma_wait3A_21 = tpu.memref_squeeze %dma_wait3A_20 : memref<1x128xi32, #tpu.memory_space<vmem>> -> memref<128xi32, #tpu.memory_space<vmem>>
        %dma_wait3A_22 = arith.constant 0 : i32
        %dma_wait3A_23 = arith.constant 0 : i32
        %dma_wait3A_24 = tpu.memref_slice %arg8[%dma_wait3A_22, %dma_wait3A_23] : memref<10240x128xf32, #tpu.memory_space<vmem_shared>> -> memref<10240x128xf32, #tpu.memory_space<vmem_shared>>
        tpu.wait_indirect_dma semaphore(%run_scoped3A : memref<!tpu.dma_semaphore, #tpu.memory_space<semaphore_mem>>) src(%arg7 : memref<128x128xf32, #tpu.memory_space<vmem>>) dst(%dma_wait3A_24 : memref<10240x128xf32, #tpu.memory_space<vmem_shared>>)
        tpu.yield
      }) : () -> ()
    }
    %scan3A_9 = arith.constant 40 : i32
    %barrier3A_10 = arith.constant 0 : index
    tpu.barrier barrier_id(%barrier3A_10)
    %mul3A_11 = arith.constant 10240 : i32
    %mul3A_12 = arith.muli %arg0, %mul3A_11 : i32
    %add3A_13 = arith.addi %mul3A_12, %mul3A_2 : i32
    "tpu.region"() ({
      %run_scoped3A = tpu.sem_alloc : memref<!tpu.dma_semaphore, #tpu.memory_space<semaphore_mem>>
      %dma_start3A = arith.constant 0 : i32
      %dma_start3A_14 = tpu.memref_slice %arg5[%add3A_13, %dma_start3A] : memref<20480x128xf32, #tpu.memory_space<hbm>> -> memref<640x128xf32, #tpu.memory_space<hbm>>
      %dma_start3A_15 = arith.constant 0 : i32
      %dma_start3A_16 = tpu.memref_slice %arg8[%mul3A_2, %dma_start3A_15] : memref<10240x128xf32, #tpu.memory_space<vmem_shared>> -> memref<640x128xf32, #tpu.memory_space<vmem_shared>>
      tpu.enqueue_dma source(%dma_start3A_16 : memref<640x128xf32, #tpu.memory_space<vmem_shared>>) target(%dma_start3A_14 : memref<640x128xf32, #tpu.memory_space<hbm>>) target_semaphore(%run_scoped3A : memref<!tpu.dma_semaphore, #tpu.memory_space<semaphore_mem>>)
      %dma_wait3A = arith.constant 0 : i32
      %dma_wait3A_17 = tpu.memref_slice %arg5[%add3A_13, %dma_wait3A] : memref<20480x128xf32, #tpu.memory_space<hbm>> -> memref<640x128xf32, #tpu.memory_space<hbm>>
      %dma_wait3A_18 = arith.constant 0 : i32
      %dma_wait3A_19 = tpu.memref_slice %arg8[%mul3A_2, %dma_wait3A_18] : memref<10240x128xf32, #tpu.memory_space<vmem_shared>> -> memref<640x128xf32, #tpu.memory_space<vmem_shared>>
      tpu.wait_dma2 semaphore(%run_scoped3A : memref<!tpu.dma_semaphore, #tpu.memory_space<semaphore_mem>>) src(%dma_wait3A_19 : memref<640x128xf32, #tpu.memory_space<vmem_shared>>) dst(%dma_wait3A_17 : memref<640x128xf32, #tpu.memory_space<hbm>>)
      tpu.yield
    }) : () -> ()
    return
  }
}

#map = affine_map<(d0, d1) -> (0, 0)>
module attributes {stable_mosaic.version = 14 : i64} {
  func.func @k(%arg0: i32, %arg1: i32, %arg2: memref<10000x128xf32, #tpu.memory_space<hbm>>, %arg3: memref<10000x128xf32, #tpu.memory_space<hbm>>, %arg4: memref<1280x128xi32, #tpu.memory_space<hbm>>, %arg5: memref<1280x128xi32, #tpu.memory_space<hbm>>, %arg6: memref<640x128xf32, #tpu.memory_space<hbm>>, %arg7: memref<20480x128xf32, #tpu.memory_space<hbm>>, %arg8: memref<40x128xi32, #tpu.memory_space<vmem>>, %arg9: memref<40x128xi32, #tpu.memory_space<vmem>>, %arg10: memref<128x128xf32, #tpu.memory_space<vmem>>, %arg11: memref<128x128xf32, #tpu.memory_space<vmem>>, %arg12: memref<10240x128xf32, #tpu.memory_space<vmem_shared>>, %arg13: memref<!tpu.dma_semaphore, #tpu.memory_space<semaphore_mem>>, %arg14: memref<!tpu.dma_semaphore, #tpu.memory_space<semaphore_mem>>) attributes {dimension_semantics = [#tpu.dimension_semantics<core_parallel>, #tpu.dimension_semantics<subcore_parallel>], iteration_bounds = array<i64: 2, 16>, scalar_prefetch = 0 : i64, scratch_operands = 7 : i64, tpu.core_type = #tpu.core_type<sc_vector_subcore>, window_params = [{transform_indices = #map}, {transform_indices = #map}, {transform_indices = #map}, {transform_indices = #map}, {transform_indices = #map}, {transform_indices = #map}]} {
    %mul3A = arith.constant 640 : i32
    %mul3A_0 = arith.muli %arg1, %mul3A : i32
    "tpu.region"() ({
      %run_scoped3A = tpu.sem_alloc : memref<!tpu.dma_semaphore, #tpu.memory_space<semaphore_mem>>
      %dma_start3A = arith.constant 0 : i32
      %dma_start3A_11 = tpu.memref_slice %arg12[%mul3A_0, %dma_start3A] : memref<10240x128xf32, #tpu.memory_space<vmem_shared>> -> memref<640x128xf32, #tpu.memory_space<vmem_shared>>
      tpu.enqueue_dma source(%arg6 : memref<640x128xf32, #tpu.memory_space<hbm>>) target(%dma_start3A_11 : memref<640x128xf32, #tpu.memory_space<vmem_shared>>) target_semaphore(%run_scoped3A : memref<!tpu.dma_semaphore, #tpu.memory_space<semaphore_mem>>)
      %dma_wait3A = arith.constant 0 : i32
      %dma_wait3A_12 = tpu.memref_slice %arg12[%mul3A_0, %dma_wait3A] : memref<10240x128xf32, #tpu.memory_space<vmem_shared>> -> memref<640x128xf32, #tpu.memory_space<vmem_shared>>
      tpu.wait_dma2 semaphore(%run_scoped3A : memref<!tpu.dma_semaphore, #tpu.memory_space<semaphore_mem>>) src(%arg6 : memref<640x128xf32, #tpu.memory_space<hbm>>) dst(%dma_wait3A_12 : memref<640x128xf32, #tpu.memory_space<vmem_shared>>)
      tpu.yield
    }) : () -> ()
    %barrier3A = arith.constant 0 : index
    tpu.barrier barrier_id(%barrier3A)
    %eq3A = arith.constant 0 : i32
    %eq3A_1 = arith.cmpi eq, %arg0, %eq3A : i32
    %convert_element_type3A = arith.extui %eq3A_1 : i1 to i32
    %cond3A = arith.constant 0 : i32
    %cond3A_2 = arith.cmpi ne, %convert_element_type3A, %cond3A : i32
    scf.if %cond3A_2 {
      %mul3A_11 = arith.constant 80 : i32
      %mul3A_12 = arith.muli %arg1, %mul3A_11 : i32
      %add3A_13 = arith.constant 0 : i32
      %add3A_14 = arith.addi %mul3A_12, %add3A_13 : i32
      "tpu.region"() ({
        %run_scoped3A = tpu.sem_alloc : memref<!tpu.dma_semaphore, #tpu.memory_space<semaphore_mem>>
        %dma_start3A_57 = arith.constant 0 : i32
        %dma_start3A_58 = tpu.memref_slice %arg4[%add3A_14, %dma_start3A_57] : memref<1280x128xi32, #tpu.memory_space<hbm>> -> memref<40x128xi32, #tpu.memory_space<hbm>>
        %dma_start3A_59 = arith.constant 0 : i32
        %dma_start3A_60 = tpu.memref_slice %arg4[%add3A_14, %dma_start3A_59] : memref<1280x128xi32, #tpu.memory_space<hbm>> -> memref<40x128xi32, #tpu.memory_space<hbm>>
        tpu.enqueue_dma source(%dma_start3A_60 : memref<40x128xi32, #tpu.memory_space<hbm>>) target(%arg8 : memref<40x128xi32, #tpu.memory_space<vmem>>) target_semaphore(%run_scoped3A : memref<!tpu.dma_semaphore, #tpu.memory_space<semaphore_mem>>)
        %dma_wait3A = arith.constant 0 : i32
        %dma_wait3A_61 = tpu.memref_slice %arg4[%add3A_14, %dma_wait3A] : memref<1280x128xi32, #tpu.memory_space<hbm>> -> memref<40x128xi32, #tpu.memory_space<hbm>>
        %dma_wait3A_62 = arith.constant 0 : i32
        %dma_wait3A_63 = tpu.memref_slice %arg4[%add3A_14, %dma_wait3A_62] : memref<1280x128xi32, #tpu.memory_space<hbm>> -> memref<40x128xi32, #tpu.memory_space<hbm>>
        tpu.wait_dma2 semaphore(%run_scoped3A : memref<!tpu.dma_semaphore, #tpu.memory_space<semaphore_mem>>) src(%dma_wait3A_63 : memref<40x128xi32, #tpu.memory_space<hbm>>) dst(%arg8 : memref<40x128xi32, #tpu.memory_space<vmem>>)
        tpu.yield
      }) : () -> ()
      "tpu.region"() ({
        %run_scoped3A = tpu.sem_alloc : memref<!tpu.dma_semaphore, #tpu.memory_space<semaphore_mem>>
        %dma_start3A_57 = arith.constant 0 : i32
        %dma_start3A_58 = tpu.memref_slice %arg5[%add3A_14, %dma_start3A_57] : memref<1280x128xi32, #tpu.memory_space<hbm>> -> memref<40x128xi32, #tpu.memory_space<hbm>>
        %dma_start3A_59 = arith.constant 0 : i32
        %dma_start3A_60 = tpu.memref_slice %arg5[%add3A_14, %dma_start3A_59] : memref<1280x128xi32, #tpu.memory_space<hbm>> -> memref<40x128xi32, #tpu.memory_space<hbm>>
        tpu.enqueue_dma source(%dma_start3A_60 : memref<40x128xi32, #tpu.memory_space<hbm>>) target(%arg9 : memref<40x128xi32, #tpu.memory_space<vmem>>) target_semaphore(%run_scoped3A : memref<!tpu.dma_semaphore, #tpu.memory_space<semaphore_mem>>)
        %dma_wait3A = arith.constant 0 : i32
        %dma_wait3A_61 = tpu.memref_slice %arg5[%add3A_14, %dma_wait3A] : memref<1280x128xi32, #tpu.memory_space<hbm>> -> memref<40x128xi32, #tpu.memory_space<hbm>>
        %dma_wait3A_62 = arith.constant 0 : i32
        %dma_wait3A_63 = tpu.memref_slice %arg5[%add3A_14, %dma_wait3A_62] : memref<1280x128xi32, #tpu.memory_space<hbm>> -> memref<40x128xi32, #tpu.memory_space<hbm>>
        tpu.wait_dma2 semaphore(%run_scoped3A : memref<!tpu.dma_semaphore, #tpu.memory_space<semaphore_mem>>) src(%dma_wait3A_63 : memref<40x128xi32, #tpu.memory_space<hbm>>) dst(%arg9 : memref<40x128xi32, #tpu.memory_space<vmem>>)
        tpu.yield
      }) : () -> ()
      %dma_start3A = arith.constant 0 : i32
      %dma_start3A_15 = arith.constant 0 : i32
      %dma_start3A_16 = tpu.memref_slice %arg8[%dma_start3A, %dma_start3A_15] : memref<40x128xi32, #tpu.memory_space<vmem>> -> memref<1x128xi32, #tpu.memory_space<vmem>>
      %dma_start3A_17 = tpu.memref_squeeze %dma_start3A_16 : memref<1x128xi32, #tpu.memory_space<vmem>> -> memref<128xi32, #tpu.memory_space<vmem>>
      %dma_start3A_18 = arith.constant 0 : i32
      %dma_start3A_19 = arith.constant 0 : i32
      %dma_start3A_20 = tpu.memref_slice %arg2[%dma_start3A_18, %dma_start3A_19] : memref<10000x128xf32, #tpu.memory_space<hbm>> -> memref<10000x128xf32, #tpu.memory_space<hbm>>
      tpu.enqueue_indirect_dma source(%dma_start3A_20 : memref<10000x128xf32, #tpu.memory_space<hbm>>) target(%arg10 : memref<128x128xf32, #tpu.memory_space<vmem>>) offsets(%dma_start3A_17 : memref<128xi32, #tpu.memory_space<vmem>>) semaphore(%arg13 : memref<!tpu.dma_semaphore, #tpu.memory_space<semaphore_mem>>)
      %dma_start3A_21 = arith.constant 1 : i32
      %dma_start3A_22 = arith.constant 0 : i32
      %dma_start3A_23 = tpu.memref_slice %arg8[%dma_start3A_21, %dma_start3A_22] : memref<40x128xi32, #tpu.memory_space<vmem>> -> memref<1x128xi32, #tpu.memory_space<vmem>>
      %dma_start3A_24 = tpu.memref_squeeze %dma_start3A_23 : memref<1x128xi32, #tpu.memory_space<vmem>> -> memref<128xi32, #tpu.memory_space<vmem>>
      %dma_start3A_25 = arith.constant 0 : i32
      %dma_start3A_26 = arith.constant 0 : i32
      %dma_start3A_27 = tpu.memref_slice %arg2[%dma_start3A_25, %dma_start3A_26] : memref<10000x128xf32, #tpu.memory_space<hbm>> -> memref<10000x128xf32, #tpu.memory_space<hbm>>
      tpu.enqueue_indirect_dma source(%dma_start3A_27 : memref<10000x128xf32, #tpu.memory_space<hbm>>) target(%arg11 : memref<128x128xf32, #tpu.memory_space<vmem>>) offsets(%dma_start3A_24 : memref<128xi32, #tpu.memory_space<vmem>>) semaphore(%arg14 : memref<!tpu.dma_semaphore, #tpu.memory_space<semaphore_mem>>)
      %scan3A = arith.constant 0 : i32
      %scan3A_28 = arith.constant 0 : i32
      %scan3A_29 = arith.constant 20 : i32
      %scan3A_30 = arith.addi %scan3A_28, %scan3A_29 : i32
      %scan3A_31 = arith.constant 1 : i32
      scf.for %scan3A_57 = %scan3A_28 to %scan3A_30 step %scan3A_31  : i32 {
        %mul3A_58 = arith.constant 2 : i32
        %mul3A_59 = arith.muli %mul3A_58, %scan3A_57 : i32
        %dma_wait3A = arith.constant 0 : i32
        %dma_wait3A_60 = tpu.memref_slice %arg8[%mul3A_59, %dma_wait3A] : memref<40x128xi32, #tpu.memory_space<vmem>> -> memref<1x128xi32, #tpu.memory_space<vmem>>
        %dma_wait3A_61 = tpu.memref_squeeze %dma_wait3A_60 : memref<1x128xi32, #tpu.memory_space<vmem>> -> memref<128xi32, #tpu.memory_space<vmem>>
        %dma_wait3A_62 = arith.constant 0 : i32
        %dma_wait3A_63 = arith.constant 0 : i32
        %dma_wait3A_64 = tpu.memref_slice %arg2[%dma_wait3A_62, %dma_wait3A_63] : memref<10000x128xf32, #tpu.memory_space<hbm>> -> memref<10000x128xf32, #tpu.memory_space<hbm>>
        tpu.wait_indirect_dma semaphore(%arg13 : memref<!tpu.dma_semaphore, #tpu.memory_space<semaphore_mem>>) src(%dma_wait3A_64 : memref<10000x128xf32, #tpu.memory_space<hbm>>) dst(%arg10 : memref<128x128xf32, #tpu.memory_space<vmem>>)
        "tpu.region"() ({
          %run_scoped3A = tpu.sem_alloc : memref<!tpu.dma_semaphore, #tpu.memory_space<semaphore_mem>>
          %dma_start3A_88 = arith.constant 0 : i32
          %dma_start3A_89 = tpu.memref_slice %arg9[%mul3A_59, %dma_start3A_88] : memref<40x128xi32, #tpu.memory_space<vmem>> -> memref<1x128xi32, #tpu.memory_space<vmem>>
          %dma_start3A_90 = tpu.memref_squeeze %dma_start3A_89 : memref<1x128xi32, #tpu.memory_space<vmem>> -> memref<128xi32, #tpu.memory_space<vmem>>
          %dma_start3A_91 = arith.constant 0 : i32
          %dma_start3A_92 = arith.constant 0 : i32
          %dma_start3A_93 = tpu.memref_slice %arg12[%dma_start3A_91, %dma_start3A_92] : memref<10240x128xf32, #tpu.memory_space<vmem_shared>> -> memref<10240x128xf32, #tpu.memory_space<vmem_shared>>
          tpu.enqueue_indirect_dma source(%arg10 : memref<128x128xf32, #tpu.memory_space<vmem>>) target(%dma_start3A_93 : memref<10240x128xf32, #tpu.memory_space<vmem_shared>>) offsets(%dma_start3A_90 : memref<128xi32, #tpu.memory_space<vmem>>) semaphore(%run_scoped3A : memref<!tpu.dma_semaphore, #tpu.memory_space<semaphore_mem>>) {add = true}
          %dma_wait3A_94 = arith.constant 0 : i32
          %dma_wait3A_95 = tpu.memref_slice %arg9[%mul3A_59, %dma_wait3A_94] : memref<40x128xi32, #tpu.memory_space<vmem>> -> memref<1x128xi32, #tpu.memory_space<vmem>>
          %dma_wait3A_96 = tpu.memref_squeeze %dma_wait3A_95 : memref<1x128xi32, #tpu.memory_space<vmem>> -> memref<128xi32, #tpu.memory_space<vmem>>
          %dma_wait3A_97 = arith.constant 0 : i32
          %dma_wait3A_98 = arith.constant 0 : i32
          %dma_wait3A_99 = tpu.memref_slice %arg12[%dma_wait3A_97, %dma_wait3A_98] : memref<10240x128xf32, #tpu.memory_space<vmem_shared>> -> memref<10240x128xf32, #tpu.memory_space<vmem_shared>>
          tpu.wait_indirect_dma semaphore(%run_scoped3A : memref<!tpu.dma_semaphore, #tpu.memory_space<semaphore_mem>>) src(%arg10 : memref<128x128xf32, #tpu.memory_space<vmem>>) dst(%dma_wait3A_99 : memref<10240x128xf32, #tpu.memory_space<vmem_shared>>)
          tpu.yield
        }) : () -> ()
        %add3A_65 = arith.constant 1 : i32
        %add3A_66 = arith.addi %scan3A_57, %add3A_65 : i32
        %lt3A = arith.constant 20 : i32
        %lt3A_67 = arith.cmpi slt, %add3A_66, %lt3A : i32
        %convert_element_type3A_68 = arith.extui %lt3A_67 : i1 to i32
        %cond3A_69 = arith.constant 0 : i32
        %cond3A_70 = arith.cmpi ne, %convert_element_type3A_68, %cond3A_69 : i32
        scf.if %cond3A_70 {
          %add3A_88 = arith.constant 2 : i32
          %add3A_89 = arith.addi %mul3A_59, %add3A_88 : i32
          %dma_start3A_90 = arith.constant 0 : i32
          %dma_start3A_91 = tpu.memref_slice %arg8[%add3A_89, %dma_start3A_90] : memref<40x128xi32, #tpu.memory_space<vmem>> -> memref<1x128xi32, #tpu.memory_space<vmem>>
          %dma_start3A_92 = tpu.memref_squeeze %dma_start3A_91 : memref<1x128xi32, #tpu.memory_space<vmem>> -> memref<128xi32, #tpu.memory_space<vmem>>
          %dma_start3A_93 = arith.constant 0 : i32
          %dma_start3A_94 = arith.constant 0 : i32
          %dma_start3A_95 = tpu.memref_slice %arg2[%dma_start3A_93, %dma_start3A_94] : memref<10000x128xf32, #tpu.memory_space<hbm>> -> memref<10000x128xf32, #tpu.memory_space<hbm>>
          tpu.enqueue_indirect_dma source(%dma_start3A_95 : memref<10000x128xf32, #tpu.memory_space<hbm>>) target(%arg10 : memref<128x128xf32, #tpu.memory_space<vmem>>) offsets(%dma_start3A_92 : memref<128xi32, #tpu.memory_space<vmem>>) semaphore(%arg13 : memref<!tpu.dma_semaphore, #tpu.memory_space<semaphore_mem>>)
        } else {
        }
        %add3A_71 = arith.constant 1 : i32
        %add3A_72 = arith.addi %mul3A_59, %add3A_71 : i32
        %dma_wait3A_73 = arith.constant 0 : i32
        %dma_wait3A_74 = tpu.memref_slice %arg8[%add3A_72, %dma_wait3A_73] : memref<40x128xi32, #tpu.memory_space<vmem>> -> memref<1x128xi32, #tpu.memory_space<vmem>>
        %dma_wait3A_75 = tpu.memref_squeeze %dma_wait3A_74 : memref<1x128xi32, #tpu.memory_space<vmem>> -> memref<128xi32, #tpu.memory_space<vmem>>
        %dma_wait3A_76 = arith.constant 0 : i32
        %dma_wait3A_77 = arith.constant 0 : i32
        %dma_wait3A_78 = tpu.memref_slice %arg2[%dma_wait3A_76, %dma_wait3A_77] : memref<10000x128xf32, #tpu.memory_space<hbm>> -> memref<10000x128xf32, #tpu.memory_space<hbm>>
        tpu.wait_indirect_dma semaphore(%arg14 : memref<!tpu.dma_semaphore, #tpu.memory_space<semaphore_mem>>) src(%dma_wait3A_78 : memref<10000x128xf32, #tpu.memory_space<hbm>>) dst(%arg11 : memref<128x128xf32, #tpu.memory_space<vmem>>)
        %add3A_79 = arith.constant 1 : i32
        %add3A_80 = arith.addi %mul3A_59, %add3A_79 : i32
        "tpu.region"() ({
          %run_scoped3A = tpu.sem_alloc : memref<!tpu.dma_semaphore, #tpu.memory_space<semaphore_mem>>
          %dma_start3A_88 = arith.constant 0 : i32
          %dma_start3A_89 = tpu.memref_slice %arg9[%add3A_80, %dma_start3A_88] : memref<40x128xi32, #tpu.memory_space<vmem>> -> memref<1x128xi32, #tpu.memory_space<vmem>>
          %dma_start3A_90 = tpu.memref_squeeze %dma_start3A_89 : memref<1x128xi32, #tpu.memory_space<vmem>> -> memref<128xi32, #tpu.memory_space<vmem>>
          %dma_start3A_91 = arith.constant 0 : i32
          %dma_start3A_92 = arith.constant 0 : i32
          %dma_start3A_93 = tpu.memref_slice %arg12[%dma_start3A_91, %dma_start3A_92] : memref<10240x128xf32, #tpu.memory_space<vmem_shared>> -> memref<10240x128xf32, #tpu.memory_space<vmem_shared>>
          tpu.enqueue_indirect_dma source(%arg11 : memref<128x128xf32, #tpu.memory_space<vmem>>) target(%dma_start3A_93 : memref<10240x128xf32, #tpu.memory_space<vmem_shared>>) offsets(%dma_start3A_90 : memref<128xi32, #tpu.memory_space<vmem>>) semaphore(%run_scoped3A : memref<!tpu.dma_semaphore, #tpu.memory_space<semaphore_mem>>) {add = true}
          %dma_wait3A_94 = arith.constant 0 : i32
          %dma_wait3A_95 = tpu.memref_slice %arg9[%add3A_80, %dma_wait3A_94] : memref<40x128xi32, #tpu.memory_space<vmem>> -> memref<1x128xi32, #tpu.memory_space<vmem>>
          %dma_wait3A_96 = tpu.memref_squeeze %dma_wait3A_95 : memref<1x128xi32, #tpu.memory_space<vmem>> -> memref<128xi32, #tpu.memory_space<vmem>>
          %dma_wait3A_97 = arith.constant 0 : i32
          %dma_wait3A_98 = arith.constant 0 : i32
          %dma_wait3A_99 = tpu.memref_slice %arg12[%dma_wait3A_97, %dma_wait3A_98] : memref<10240x128xf32, #tpu.memory_space<vmem_shared>> -> memref<10240x128xf32, #tpu.memory_space<vmem_shared>>
          tpu.wait_indirect_dma semaphore(%run_scoped3A : memref<!tpu.dma_semaphore, #tpu.memory_space<semaphore_mem>>) src(%arg11 : memref<128x128xf32, #tpu.memory_space<vmem>>) dst(%dma_wait3A_99 : memref<10240x128xf32, #tpu.memory_space<vmem_shared>>)
          tpu.yield
        }) : () -> ()
        %add3A_81 = arith.constant 1 : i32
        %add3A_82 = arith.addi %scan3A_57, %add3A_81 : i32
        %lt3A_83 = arith.constant 20 : i32
        %lt3A_84 = arith.cmpi slt, %add3A_82, %lt3A_83 : i32
        %convert_element_type3A_85 = arith.extui %lt3A_84 : i1 to i32
        %cond3A_86 = arith.constant 0 : i32
        %cond3A_87 = arith.cmpi ne, %convert_element_type3A_85, %cond3A_86 : i32
        scf.if %cond3A_87 {
          %add3A_88 = arith.constant 3 : i32
          %add3A_89 = arith.addi %mul3A_59, %add3A_88 : i32
          %dma_start3A_90 = arith.constant 0 : i32
          %dma_start3A_91 = tpu.memref_slice %arg8[%add3A_89, %dma_start3A_90] : memref<40x128xi32, #tpu.memory_space<vmem>> -> memref<1x128xi32, #tpu.memory_space<vmem>>
          %dma_start3A_92 = tpu.memref_squeeze %dma_start3A_91 : memref<1x128xi32, #tpu.memory_space<vmem>> -> memref<128xi32, #tpu.memory_space<vmem>>
          %dma_start3A_93 = arith.constant 0 : i32
          %dma_start3A_94 = arith.constant 0 : i32
          %dma_start3A_95 = tpu.memref_slice %arg2[%dma_start3A_93, %dma_start3A_94] : memref<10000x128xf32, #tpu.memory_space<hbm>> -> memref<10000x128xf32, #tpu.memory_space<hbm>>
          tpu.enqueue_indirect_dma source(%dma_start3A_95 : memref<10000x128xf32, #tpu.memory_space<hbm>>) target(%arg11 : memref<128x128xf32, #tpu.memory_space<vmem>>) offsets(%dma_start3A_92 : memref<128xi32, #tpu.memory_space<vmem>>) semaphore(%arg14 : memref<!tpu.dma_semaphore, #tpu.memory_space<semaphore_mem>>)
        } else {
        }
      }
      %scan3A_32 = arith.constant 20 : i32
      %mul3A_33 = arith.constant 80 : i32
      %mul3A_34 = arith.muli %arg1, %mul3A_33 : i32
      %add3A_35 = arith.constant 40 : i32
      %add3A_36 = arith.addi %mul3A_34, %add3A_35 : i32
      "tpu.region"() ({
        %run_scoped3A = tpu.sem_alloc : memref<!tpu.dma_semaphore, #tpu.memory_space<semaphore_mem>>
        %dma_start3A_57 = arith.constant 0 : i32
        %dma_start3A_58 = tpu.memref_slice %arg4[%add3A_36, %dma_start3A_57] : memref<1280x128xi32, #tpu.memory_space<hbm>> -> memref<40x128xi32, #tpu.memory_space<hbm>>
        %dma_start3A_59 = arith.constant 0 : i32
        %dma_start3A_60 = tpu.memref_slice %arg4[%add3A_36, %dma_start3A_59] : memref<1280x128xi32, #tpu.memory_space<hbm>> -> memref<40x128xi32, #tpu.memory_space<hbm>>
        tpu.enqueue_dma source(%dma_start3A_60 : memref<40x128xi32, #tpu.memory_space<hbm>>) target(%arg8 : memref<40x128xi32, #tpu.memory_space<vmem>>) target_semaphore(%run_scoped3A : memref<!tpu.dma_semaphore, #tpu.memory_space<semaphore_mem>>)
        %dma_wait3A = arith.constant 0 : i32
        %dma_wait3A_61 = tpu.memref_slice %arg4[%add3A_36, %dma_wait3A] : memref<1280x128xi32, #tpu.memory_space<hbm>> -> memref<40x128xi32, #tpu.memory_space<hbm>>
        %dma_wait3A_62 = arith.constant 0 : i32
        %dma_wait3A_63 = tpu.memref_slice %arg4[%add3A_36, %dma_wait3A_62] : memref<1280x128xi32, #tpu.memory_space<hbm>> -> memref<40x128xi32, #tpu.memory_space<hbm>>
        tpu.wait_dma2 semaphore(%run_scoped3A : memref<!tpu.dma_semaphore, #tpu.memory_space<semaphore_mem>>) src(%dma_wait3A_63 : memref<40x128xi32, #tpu.memory_space<hbm>>) dst(%arg8 : memref<40x128xi32, #tpu.memory_space<vmem>>)
        tpu.yield
      }) : () -> ()
      "tpu.region"() ({
        %run_scoped3A = tpu.sem_alloc : memref<!tpu.dma_semaphore, #tpu.memory_space<semaphore_mem>>
        %dma_start3A_57 = arith.constant 0 : i32
        %dma_start3A_58 = tpu.memref_slice %arg5[%add3A_36, %dma_start3A_57] : memref<1280x128xi32, #tpu.memory_space<hbm>> -> memref<40x128xi32, #tpu.memory_space<hbm>>
        %dma_start3A_59 = arith.constant 0 : i32
        %dma_start3A_60 = tpu.memref_slice %arg5[%add3A_36, %dma_start3A_59] : memref<1280x128xi32, #tpu.memory_space<hbm>> -> memref<40x128xi32, #tpu.memory_space<hbm>>
        tpu.enqueue_dma source(%dma_start3A_60 : memref<40x128xi32, #tpu.memory_space<hbm>>) target(%arg9 : memref<40x128xi32, #tpu.memory_space<vmem>>) target_semaphore(%run_scoped3A : memref<!tpu.dma_semaphore, #tpu.memory_space<semaphore_mem>>)
        %dma_wait3A = arith.constant 0 : i32
        %dma_wait3A_61 = tpu.memref_slice %arg5[%add3A_36, %dma_wait3A] : memref<1280x128xi32, #tpu.memory_space<hbm>> -> memref<40x128xi32, #tpu.memory_space<hbm>>
        %dma_wait3A_62 = arith.constant 0 : i32
        %dma_wait3A_63 = tpu.memref_slice %arg5[%add3A_36, %dma_wait3A_62] : memref<1280x128xi32, #tpu.memory_space<hbm>> -> memref<40x128xi32, #tpu.memory_space<hbm>>
        tpu.wait_dma2 semaphore(%run_scoped3A : memref<!tpu.dma_semaphore, #tpu.memory_space<semaphore_mem>>) src(%dma_wait3A_63 : memref<40x128xi32, #tpu.memory_space<hbm>>) dst(%arg9 : memref<40x128xi32, #tpu.memory_space<vmem>>)
        tpu.yield
      }) : () -> ()
      %dma_start3A_37 = arith.constant 0 : i32
      %dma_start3A_38 = arith.constant 0 : i32
      %dma_start3A_39 = tpu.memref_slice %arg8[%dma_start3A_37, %dma_start3A_38] : memref<40x128xi32, #tpu.memory_space<vmem>> -> memref<1x128xi32, #tpu.memory_space<vmem>>
      %dma_start3A_40 = tpu.memref_squeeze %dma_start3A_39 : memref<1x128xi32, #tpu.memory_space<vmem>> -> memref<128xi32, #tpu.memory_space<vmem>>
      %dma_start3A_41 = arith.constant 0 : i32
      %dma_start3A_42 = arith.constant 0 : i32
      %dma_start3A_43 = tpu.memref_slice %arg2[%dma_start3A_41, %dma_start3A_42] : memref<10000x128xf32, #tpu.memory_space<hbm>> -> memref<10000x128xf32, #tpu.memory_space<hbm>>
      tpu.enqueue_indirect_dma source(%dma_start3A_43 : memref<10000x128xf32, #tpu.memory_space<hbm>>) target(%arg10 : memref<128x128xf32, #tpu.memory_space<vmem>>) offsets(%dma_start3A_40 : memref<128xi32, #tpu.memory_space<vmem>>) semaphore(%arg13 : memref<!tpu.dma_semaphore, #tpu.memory_space<semaphore_mem>>)
      %dma_start3A_44 = arith.constant 1 : i32
      %dma_start3A_45 = arith.constant 0 : i32
      %dma_start3A_46 = tpu.memref_slice %arg8[%dma_start3A_44, %dma_start3A_45] : memref<40x128xi32, #tpu.memory_space<vmem>> -> memref<1x128xi32, #tpu.memory_space<vmem>>
      %dma_start3A_47 = tpu.memref_squeeze %dma_start3A_46 : memref<1x128xi32, #tpu.memory_space<vmem>> -> memref<128xi32, #tpu.memory_space<vmem>>
      %dma_start3A_48 = arith.constant 0 : i32
      %dma_start3A_49 = arith.constant 0 : i32
      %dma_start3A_50 = tpu.memref_slice %arg2[%dma_start3A_48, %dma_start3A_49] : memref<10000x128xf32, #tpu.memory_space<hbm>> -> memref<10000x128xf32, #tpu.memory_space<hbm>>
      tpu.enqueue_indirect_dma source(%dma_start3A_50 : memref<10000x128xf32, #tpu.memory_space<hbm>>) target(%arg11 : memref<128x128xf32, #tpu.memory_space<vmem>>) offsets(%dma_start3A_47 : memref<128xi32, #tpu.memory_space<vmem>>) semaphore(%arg14 : memref<!tpu.dma_semaphore, #tpu.memory_space<semaphore_mem>>)
      %scan3A_51 = arith.constant 0 : i32
      %scan3A_52 = arith.constant 0 : i32
      %scan3A_53 = arith.constant 20 : i32
      %scan3A_54 = arith.addi %scan3A_52, %scan3A_53 : i32
      %scan3A_55 = arith.constant 1 : i32
      scf.for %scan3A_57 = %scan3A_52 to %scan3A_54 step %scan3A_55  : i32 {
        %mul3A_58 = arith.constant 2 : i32
        %mul3A_59 = arith.muli %mul3A_58, %scan3A_57 : i32
        %dma_wait3A = arith.constant 0 : i32
        %dma_wait3A_60 = tpu.memref_slice %arg8[%mul3A_59, %dma_wait3A] : memref<40x128xi32, #tpu.memory_space<vmem>> -> memref<1x128xi32, #tpu.memory_space<vmem>>
        %dma_wait3A_61 = tpu.memref_squeeze %dma_wait3A_60 : memref<1x128xi32, #tpu.memory_space<vmem>> -> memref<128xi32, #tpu.memory_space<vmem>>
        %dma_wait3A_62 = arith.constant 0 : i32
        %dma_wait3A_63 = arith.constant 0 : i32
        %dma_wait3A_64 = tpu.memref_slice %arg2[%dma_wait3A_62, %dma_wait3A_63] : memref<10000x128xf32, #tpu.memory_space<hbm>> -> memref<10000x128xf32, #tpu.memory_space<hbm>>
        tpu.wait_indirect_dma semaphore(%arg13 : memref<!tpu.dma_semaphore, #tpu.memory_space<semaphore_mem>>) src(%dma_wait3A_64 : memref<10000x128xf32, #tpu.memory_space<hbm>>) dst(%arg10 : memref<128x128xf32, #tpu.memory_space<vmem>>)
        "tpu.region"() ({
          %run_scoped3A = tpu.sem_alloc : memref<!tpu.dma_semaphore, #tpu.memory_space<semaphore_mem>>
          %dma_start3A_88 = arith.constant 0 : i32
          %dma_start3A_89 = tpu.memref_slice %arg9[%mul3A_59, %dma_start3A_88] : memref<40x128xi32, #tpu.memory_space<vmem>> -> memref<1x128xi32, #tpu.memory_space<vmem>>
          %dma_start3A_90 = tpu.memref_squeeze %dma_start3A_89 : memref<1x128xi32, #tpu.memory_space<vmem>> -> memref<128xi32, #tpu.memory_space<vmem>>
          %dma_start3A_91 = arith.constant 0 : i32
          %dma_start3A_92 = arith.constant 0 : i32
          %dma_start3A_93 = tpu.memref_slice %arg12[%dma_start3A_91, %dma_start3A_92] : memref<10240x128xf32, #tpu.memory_space<vmem_shared>> -> memref<10240x128xf32, #tpu.memory_space<vmem_shared>>
          tpu.enqueue_indirect_dma source(%arg10 : memref<128x128xf32, #tpu.memory_space<vmem>>) target(%dma_start3A_93 : memref<10240x128xf32, #tpu.memory_space<vmem_shared>>) offsets(%dma_start3A_90 : memref<128xi32, #tpu.memory_space<vmem>>) semaphore(%run_scoped3A : memref<!tpu.dma_semaphore, #tpu.memory_space<semaphore_mem>>) {add = true}
          %dma_wait3A_94 = arith.constant 0 : i32
          %dma_wait3A_95 = tpu.memref_slice %arg9[%mul3A_59, %dma_wait3A_94] : memref<40x128xi32, #tpu.memory_space<vmem>> -> memref<1x128xi32, #tpu.memory_space<vmem>>
          %dma_wait3A_96 = tpu.memref_squeeze %dma_wait3A_95 : memref<1x128xi32, #tpu.memory_space<vmem>> -> memref<128xi32, #tpu.memory_space<vmem>>
          %dma_wait3A_97 = arith.constant 0 : i32
          %dma_wait3A_98 = arith.constant 0 : i32
          %dma_wait3A_99 = tpu.memref_slice %arg12[%dma_wait3A_97, %dma_wait3A_98] : memref<10240x128xf32, #tpu.memory_space<vmem_shared>> -> memref<10240x128xf32, #tpu.memory_space<vmem_shared>>
          tpu.wait_indirect_dma semaphore(%run_scoped3A : memref<!tpu.dma_semaphore, #tpu.memory_space<semaphore_mem>>) src(%arg10 : memref<128x128xf32, #tpu.memory_space<vmem>>) dst(%dma_wait3A_99 : memref<10240x128xf32, #tpu.memory_space<vmem_shared>>)
          tpu.yield
        }) : () -> ()
        %add3A_65 = arith.constant 1 : i32
        %add3A_66 = arith.addi %scan3A_57, %add3A_65 : i32
        %lt3A = arith.constant 20 : i32
        %lt3A_67 = arith.cmpi slt, %add3A_66, %lt3A : i32
        %convert_element_type3A_68 = arith.extui %lt3A_67 : i1 to i32
        %cond3A_69 = arith.constant 0 : i32
        %cond3A_70 = arith.cmpi ne, %convert_element_type3A_68, %cond3A_69 : i32
        scf.if %cond3A_70 {
          %add3A_88 = arith.constant 2 : i32
          %add3A_89 = arith.addi %mul3A_59, %add3A_88 : i32
          %dma_start3A_90 = arith.constant 0 : i32
          %dma_start3A_91 = tpu.memref_slice %arg8[%add3A_89, %dma_start3A_90] : memref<40x128xi32, #tpu.memory_space<vmem>> -> memref<1x128xi32, #tpu.memory_space<vmem>>
          %dma_start3A_92 = tpu.memref_squeeze %dma_start3A_91 : memref<1x128xi32, #tpu.memory_space<vmem>> -> memref<128xi32, #tpu.memory_space<vmem>>
          %dma_start3A_93 = arith.constant 0 : i32
          %dma_start3A_94 = arith.constant 0 : i32
          %dma_start3A_95 = tpu.memref_slice %arg2[%dma_start3A_93, %dma_start3A_94] : memref<10000x128xf32, #tpu.memory_space<hbm>> -> memref<10000x128xf32, #tpu.memory_space<hbm>>
          tpu.enqueue_indirect_dma source(%dma_start3A_95 : memref<10000x128xf32, #tpu.memory_space<hbm>>) target(%arg10 : memref<128x128xf32, #tpu.memory_space<vmem>>) offsets(%dma_start3A_92 : memref<128xi32, #tpu.memory_space<vmem>>) semaphore(%arg13 : memref<!tpu.dma_semaphore, #tpu.memory_space<semaphore_mem>>)
        } else {
        }
        %add3A_71 = arith.constant 1 : i32
        %add3A_72 = arith.addi %mul3A_59, %add3A_71 : i32
        %dma_wait3A_73 = arith.constant 0 : i32
        %dma_wait3A_74 = tpu.memref_slice %arg8[%add3A_72, %dma_wait3A_73] : memref<40x128xi32, #tpu.memory_space<vmem>> -> memref<1x128xi32, #tpu.memory_space<vmem>>
        %dma_wait3A_75 = tpu.memref_squeeze %dma_wait3A_74 : memref<1x128xi32, #tpu.memory_space<vmem>> -> memref<128xi32, #tpu.memory_space<vmem>>
        %dma_wait3A_76 = arith.constant 0 : i32
        %dma_wait3A_77 = arith.constant 0 : i32
        %dma_wait3A_78 = tpu.memref_slice %arg2[%dma_wait3A_76, %dma_wait3A_77] : memref<10000x128xf32, #tpu.memory_space<hbm>> -> memref<10000x128xf32, #tpu.memory_space<hbm>>
        tpu.wait_indirect_dma semaphore(%arg14 : memref<!tpu.dma_semaphore, #tpu.memory_space<semaphore_mem>>) src(%dma_wait3A_78 : memref<10000x128xf32, #tpu.memory_space<hbm>>) dst(%arg11 : memref<128x128xf32, #tpu.memory_space<vmem>>)
        %add3A_79 = arith.constant 1 : i32
        %add3A_80 = arith.addi %mul3A_59, %add3A_79 : i32
        "tpu.region"() ({
          %run_scoped3A = tpu.sem_alloc : memref<!tpu.dma_semaphore, #tpu.memory_space<semaphore_mem>>
          %dma_start3A_88 = arith.constant 0 : i32
          %dma_start3A_89 = tpu.memref_slice %arg9[%add3A_80, %dma_start3A_88] : memref<40x128xi32, #tpu.memory_space<vmem>> -> memref<1x128xi32, #tpu.memory_space<vmem>>
          %dma_start3A_90 = tpu.memref_squeeze %dma_start3A_89 : memref<1x128xi32, #tpu.memory_space<vmem>> -> memref<128xi32, #tpu.memory_space<vmem>>
          %dma_start3A_91 = arith.constant 0 : i32
          %dma_start3A_92 = arith.constant 0 : i32
          %dma_start3A_93 = tpu.memref_slice %arg12[%dma_start3A_91, %dma_start3A_92] : memref<10240x128xf32, #tpu.memory_space<vmem_shared>> -> memref<10240x128xf32, #tpu.memory_space<vmem_shared>>
          tpu.enqueue_indirect_dma source(%arg11 : memref<128x128xf32, #tpu.memory_space<vmem>>) target(%dma_start3A_93 : memref<10240x128xf32, #tpu.memory_space<vmem_shared>>) offsets(%dma_start3A_90 : memref<128xi32, #tpu.memory_space<vmem>>) semaphore(%run_scoped3A : memref<!tpu.dma_semaphore, #tpu.memory_space<semaphore_mem>>) {add = true}
          %dma_wait3A_94 = arith.constant 0 : i32
          %dma_wait3A_95 = tpu.memref_slice %arg9[%add3A_80, %dma_wait3A_94] : memref<40x128xi32, #tpu.memory_space<vmem>> -> memref<1x128xi32, #tpu.memory_space<vmem>>
          %dma_wait3A_96 = tpu.memref_squeeze %dma_wait3A_95 : memref<1x128xi32, #tpu.memory_space<vmem>> -> memref<128xi32, #tpu.memory_space<vmem>>
          %dma_wait3A_97 = arith.constant 0 : i32
          %dma_wait3A_98 = arith.constant 0 : i32
          %dma_wait3A_99 = tpu.memref_slice %arg12[%dma_wait3A_97, %dma_wait3A_98] : memref<10240x128xf32, #tpu.memory_space<vmem_shared>> -> memref<10240x128xf32, #tpu.memory_space<vmem_shared>>
          tpu.wait_indirect_dma semaphore(%run_scoped3A : memref<!tpu.dma_semaphore, #tpu.memory_space<semaphore_mem>>) src(%arg11 : memref<128x128xf32, #tpu.memory_space<vmem>>) dst(%dma_wait3A_99 : memref<10240x128xf32, #tpu.memory_space<vmem_shared>>)
          tpu.yield
        }) : () -> ()
        %add3A_81 = arith.constant 1 : i32
        %add3A_82 = arith.addi %scan3A_57, %add3A_81 : i32
        %lt3A_83 = arith.constant 20 : i32
        %lt3A_84 = arith.cmpi slt, %add3A_82, %lt3A_83 : i32
        %convert_element_type3A_85 = arith.extui %lt3A_84 : i1 to i32
        %cond3A_86 = arith.constant 0 : i32
        %cond3A_87 = arith.cmpi ne, %convert_element_type3A_85, %cond3A_86 : i32
        scf.if %cond3A_87 {
          %add3A_88 = arith.constant 3 : i32
          %add3A_89 = arith.addi %mul3A_59, %add3A_88 : i32
          %dma_start3A_90 = arith.constant 0 : i32
          %dma_start3A_91 = tpu.memref_slice %arg8[%add3A_89, %dma_start3A_90] : memref<40x128xi32, #tpu.memory_space<vmem>> -> memref<1x128xi32, #tpu.memory_space<vmem>>
          %dma_start3A_92 = tpu.memref_squeeze %dma_start3A_91 : memref<1x128xi32, #tpu.memory_space<vmem>> -> memref<128xi32, #tpu.memory_space<vmem>>
          %dma_start3A_93 = arith.constant 0 : i32
          %dma_start3A_94 = arith.constant 0 : i32
          %dma_start3A_95 = tpu.memref_slice %arg2[%dma_start3A_93, %dma_start3A_94] : memref<10000x128xf32, #tpu.memory_space<hbm>> -> memref<10000x128xf32, #tpu.memory_space<hbm>>
          tpu.enqueue_indirect_dma source(%dma_start3A_95 : memref<10000x128xf32, #tpu.memory_space<hbm>>) target(%arg11 : memref<128x128xf32, #tpu.memory_space<vmem>>) offsets(%dma_start3A_92 : memref<128xi32, #tpu.memory_space<vmem>>) semaphore(%arg14 : memref<!tpu.dma_semaphore, #tpu.memory_space<semaphore_mem>>)
        } else {
        }
      }
      %scan3A_56 = arith.constant 20 : i32
    } else {
    }
    %eq3A_3 = arith.constant 1 : i32
    %eq3A_4 = arith.cmpi eq, %arg0, %eq3A_3 : i32
    %convert_element_type3A_5 = arith.extui %eq3A_4 : i1 to i32
    %cond3A_6 = arith.constant 0 : i32
    %cond3A_7 = arith.cmpi ne, %convert_element_type3A_5, %cond3A_6 : i32
    scf.if %cond3A_7 {
      %mul3A_11 = arith.constant 80 : i32
      %mul3A_12 = arith.muli %arg1, %mul3A_11 : i32
      %add3A_13 = arith.constant 0 : i32
      %add3A_14 = arith.addi %mul3A_12, %add3A_13 : i32
      "tpu.region"() ({
        %run_scoped3A = tpu.sem_alloc : memref<!tpu.dma_semaphore, #tpu.memory_space<semaphore_mem>>
        %dma_start3A_57 = arith.constant 0 : i32
        %dma_start3A_58 = tpu.memref_slice %arg4[%add3A_14, %dma_start3A_57] : memref<1280x128xi32, #tpu.memory_space<hbm>> -> memref<40x128xi32, #tpu.memory_space<hbm>>
        %dma_start3A_59 = arith.constant 0 : i32
        %dma_start3A_60 = tpu.memref_slice %arg4[%add3A_14, %dma_start3A_59] : memref<1280x128xi32, #tpu.memory_space<hbm>> -> memref<40x128xi32, #tpu.memory_space<hbm>>
        tpu.enqueue_dma source(%dma_start3A_60 : memref<40x128xi32, #tpu.memory_space<hbm>>) target(%arg8 : memref<40x128xi32, #tpu.memory_space<vmem>>) target_semaphore(%run_scoped3A : memref<!tpu.dma_semaphore, #tpu.memory_space<semaphore_mem>>)
        %dma_wait3A = arith.constant 0 : i32
        %dma_wait3A_61 = tpu.memref_slice %arg4[%add3A_14, %dma_wait3A] : memref<1280x128xi32, #tpu.memory_space<hbm>> -> memref<40x128xi32, #tpu.memory_space<hbm>>
        %dma_wait3A_62 = arith.constant 0 : i32
        %dma_wait3A_63 = tpu.memref_slice %arg4[%add3A_14, %dma_wait3A_62] : memref<1280x128xi32, #tpu.memory_space<hbm>> -> memref<40x128xi32, #tpu.memory_space<hbm>>
        tpu.wait_dma2 semaphore(%run_scoped3A : memref<!tpu.dma_semaphore, #tpu.memory_space<semaphore_mem>>) src(%dma_wait3A_63 : memref<40x128xi32, #tpu.memory_space<hbm>>) dst(%arg8 : memref<40x128xi32, #tpu.memory_space<vmem>>)
        tpu.yield
      }) : () -> ()
      "tpu.region"() ({
        %run_scoped3A = tpu.sem_alloc : memref<!tpu.dma_semaphore, #tpu.memory_space<semaphore_mem>>
        %dma_start3A_57 = arith.constant 0 : i32
        %dma_start3A_58 = tpu.memref_slice %arg5[%add3A_14, %dma_start3A_57] : memref<1280x128xi32, #tpu.memory_space<hbm>> -> memref<40x128xi32, #tpu.memory_space<hbm>>
        %dma_start3A_59 = arith.constant 0 : i32
        %dma_start3A_60 = tpu.memref_slice %arg5[%add3A_14, %dma_start3A_59] : memref<1280x128xi32, #tpu.memory_space<hbm>> -> memref<40x128xi32, #tpu.memory_space<hbm>>
        tpu.enqueue_dma source(%dma_start3A_60 : memref<40x128xi32, #tpu.memory_space<hbm>>) target(%arg9 : memref<40x128xi32, #tpu.memory_space<vmem>>) target_semaphore(%run_scoped3A : memref<!tpu.dma_semaphore, #tpu.memory_space<semaphore_mem>>)
        %dma_wait3A = arith.constant 0 : i32
        %dma_wait3A_61 = tpu.memref_slice %arg5[%add3A_14, %dma_wait3A] : memref<1280x128xi32, #tpu.memory_space<hbm>> -> memref<40x128xi32, #tpu.memory_space<hbm>>
        %dma_wait3A_62 = arith.constant 0 : i32
        %dma_wait3A_63 = tpu.memref_slice %arg5[%add3A_14, %dma_wait3A_62] : memref<1280x128xi32, #tpu.memory_space<hbm>> -> memref<40x128xi32, #tpu.memory_space<hbm>>
        tpu.wait_dma2 semaphore(%run_scoped3A : memref<!tpu.dma_semaphore, #tpu.memory_space<semaphore_mem>>) src(%dma_wait3A_63 : memref<40x128xi32, #tpu.memory_space<hbm>>) dst(%arg9 : memref<40x128xi32, #tpu.memory_space<vmem>>)
        tpu.yield
      }) : () -> ()
      %dma_start3A = arith.constant 0 : i32
      %dma_start3A_15 = arith.constant 0 : i32
      %dma_start3A_16 = tpu.memref_slice %arg8[%dma_start3A, %dma_start3A_15] : memref<40x128xi32, #tpu.memory_space<vmem>> -> memref<1x128xi32, #tpu.memory_space<vmem>>
      %dma_start3A_17 = tpu.memref_squeeze %dma_start3A_16 : memref<1x128xi32, #tpu.memory_space<vmem>> -> memref<128xi32, #tpu.memory_space<vmem>>
      %dma_start3A_18 = arith.constant 0 : i32
      %dma_start3A_19 = arith.constant 0 : i32
      %dma_start3A_20 = tpu.memref_slice %arg3[%dma_start3A_18, %dma_start3A_19] : memref<10000x128xf32, #tpu.memory_space<hbm>> -> memref<10000x128xf32, #tpu.memory_space<hbm>>
      tpu.enqueue_indirect_dma source(%dma_start3A_20 : memref<10000x128xf32, #tpu.memory_space<hbm>>) target(%arg10 : memref<128x128xf32, #tpu.memory_space<vmem>>) offsets(%dma_start3A_17 : memref<128xi32, #tpu.memory_space<vmem>>) semaphore(%arg13 : memref<!tpu.dma_semaphore, #tpu.memory_space<semaphore_mem>>)
      %dma_start3A_21 = arith.constant 1 : i32
      %dma_start3A_22 = arith.constant 0 : i32
      %dma_start3A_23 = tpu.memref_slice %arg8[%dma_start3A_21, %dma_start3A_22] : memref<40x128xi32, #tpu.memory_space<vmem>> -> memref<1x128xi32, #tpu.memory_space<vmem>>
      %dma_start3A_24 = tpu.memref_squeeze %dma_start3A_23 : memref<1x128xi32, #tpu.memory_space<vmem>> -> memref<128xi32, #tpu.memory_space<vmem>>
      %dma_start3A_25 = arith.constant 0 : i32
      %dma_start3A_26 = arith.constant 0 : i32
      %dma_start3A_27 = tpu.memref_slice %arg3[%dma_start3A_25, %dma_start3A_26] : memref<10000x128xf32, #tpu.memory_space<hbm>> -> memref<10000x128xf32, #tpu.memory_space<hbm>>
      tpu.enqueue_indirect_dma source(%dma_start3A_27 : memref<10000x128xf32, #tpu.memory_space<hbm>>) target(%arg11 : memref<128x128xf32, #tpu.memory_space<vmem>>) offsets(%dma_start3A_24 : memref<128xi32, #tpu.memory_space<vmem>>) semaphore(%arg14 : memref<!tpu.dma_semaphore, #tpu.memory_space<semaphore_mem>>)
      %scan3A = arith.constant 0 : i32
      %scan3A_28 = arith.constant 0 : i32
      %scan3A_29 = arith.constant 20 : i32
      %scan3A_30 = arith.addi %scan3A_28, %scan3A_29 : i32
      %scan3A_31 = arith.constant 1 : i32
      scf.for %scan3A_57 = %scan3A_28 to %scan3A_30 step %scan3A_31  : i32 {
        %mul3A_58 = arith.constant 2 : i32
        %mul3A_59 = arith.muli %mul3A_58, %scan3A_57 : i32
        %dma_wait3A = arith.constant 0 : i32
        %dma_wait3A_60 = tpu.memref_slice %arg8[%mul3A_59, %dma_wait3A] : memref<40x128xi32, #tpu.memory_space<vmem>> -> memref<1x128xi32, #tpu.memory_space<vmem>>
        %dma_wait3A_61 = tpu.memref_squeeze %dma_wait3A_60 : memref<1x128xi32, #tpu.memory_space<vmem>> -> memref<128xi32, #tpu.memory_space<vmem>>
        %dma_wait3A_62 = arith.constant 0 : i32
        %dma_wait3A_63 = arith.constant 0 : i32
        %dma_wait3A_64 = tpu.memref_slice %arg3[%dma_wait3A_62, %dma_wait3A_63] : memref<10000x128xf32, #tpu.memory_space<hbm>> -> memref<10000x128xf32, #tpu.memory_space<hbm>>
        tpu.wait_indirect_dma semaphore(%arg13 : memref<!tpu.dma_semaphore, #tpu.memory_space<semaphore_mem>>) src(%dma_wait3A_64 : memref<10000x128xf32, #tpu.memory_space<hbm>>) dst(%arg10 : memref<128x128xf32, #tpu.memory_space<vmem>>)
        "tpu.region"() ({
          %run_scoped3A = tpu.sem_alloc : memref<!tpu.dma_semaphore, #tpu.memory_space<semaphore_mem>>
          %dma_start3A_88 = arith.constant 0 : i32
          %dma_start3A_89 = tpu.memref_slice %arg9[%mul3A_59, %dma_start3A_88] : memref<40x128xi32, #tpu.memory_space<vmem>> -> memref<1x128xi32, #tpu.memory_space<vmem>>
          %dma_start3A_90 = tpu.memref_squeeze %dma_start3A_89 : memref<1x128xi32, #tpu.memory_space<vmem>> -> memref<128xi32, #tpu.memory_space<vmem>>
          %dma_start3A_91 = arith.constant 0 : i32
          %dma_start3A_92 = arith.constant 0 : i32
          %dma_start3A_93 = tpu.memref_slice %arg12[%dma_start3A_91, %dma_start3A_92] : memref<10240x128xf32, #tpu.memory_space<vmem_shared>> -> memref<10240x128xf32, #tpu.memory_space<vmem_shared>>
          tpu.enqueue_indirect_dma source(%arg10 : memref<128x128xf32, #tpu.memory_space<vmem>>) target(%dma_start3A_93 : memref<10240x128xf32, #tpu.memory_space<vmem_shared>>) offsets(%dma_start3A_90 : memref<128xi32, #tpu.memory_space<vmem>>) semaphore(%run_scoped3A : memref<!tpu.dma_semaphore, #tpu.memory_space<semaphore_mem>>) {add = true}
          %dma_wait3A_94 = arith.constant 0 : i32
          %dma_wait3A_95 = tpu.memref_slice %arg9[%mul3A_59, %dma_wait3A_94] : memref<40x128xi32, #tpu.memory_space<vmem>> -> memref<1x128xi32, #tpu.memory_space<vmem>>
          %dma_wait3A_96 = tpu.memref_squeeze %dma_wait3A_95 : memref<1x128xi32, #tpu.memory_space<vmem>> -> memref<128xi32, #tpu.memory_space<vmem>>
          %dma_wait3A_97 = arith.constant 0 : i32
          %dma_wait3A_98 = arith.constant 0 : i32
          %dma_wait3A_99 = tpu.memref_slice %arg12[%dma_wait3A_97, %dma_wait3A_98] : memref<10240x128xf32, #tpu.memory_space<vmem_shared>> -> memref<10240x128xf32, #tpu.memory_space<vmem_shared>>
          tpu.wait_indirect_dma semaphore(%run_scoped3A : memref<!tpu.dma_semaphore, #tpu.memory_space<semaphore_mem>>) src(%arg10 : memref<128x128xf32, #tpu.memory_space<vmem>>) dst(%dma_wait3A_99 : memref<10240x128xf32, #tpu.memory_space<vmem_shared>>)
          tpu.yield
        }) : () -> ()
        %add3A_65 = arith.constant 1 : i32
        %add3A_66 = arith.addi %scan3A_57, %add3A_65 : i32
        %lt3A = arith.constant 20 : i32
        %lt3A_67 = arith.cmpi slt, %add3A_66, %lt3A : i32
        %convert_element_type3A_68 = arith.extui %lt3A_67 : i1 to i32
        %cond3A_69 = arith.constant 0 : i32
        %cond3A_70 = arith.cmpi ne, %convert_element_type3A_68, %cond3A_69 : i32
        scf.if %cond3A_70 {
          %add3A_88 = arith.constant 2 : i32
          %add3A_89 = arith.addi %mul3A_59, %add3A_88 : i32
          %dma_start3A_90 = arith.constant 0 : i32
          %dma_start3A_91 = tpu.memref_slice %arg8[%add3A_89, %dma_start3A_90] : memref<40x128xi32, #tpu.memory_space<vmem>> -> memref<1x128xi32, #tpu.memory_space<vmem>>
          %dma_start3A_92 = tpu.memref_squeeze %dma_start3A_91 : memref<1x128xi32, #tpu.memory_space<vmem>> -> memref<128xi32, #tpu.memory_space<vmem>>
          %dma_start3A_93 = arith.constant 0 : i32
          %dma_start3A_94 = arith.constant 0 : i32
          %dma_start3A_95 = tpu.memref_slice %arg3[%dma_start3A_93, %dma_start3A_94] : memref<10000x128xf32, #tpu.memory_space<hbm>> -> memref<10000x128xf32, #tpu.memory_space<hbm>>
          tpu.enqueue_indirect_dma source(%dma_start3A_95 : memref<10000x128xf32, #tpu.memory_space<hbm>>) target(%arg10 : memref<128x128xf32, #tpu.memory_space<vmem>>) offsets(%dma_start3A_92 : memref<128xi32, #tpu.memory_space<vmem>>) semaphore(%arg13 : memref<!tpu.dma_semaphore, #tpu.memory_space<semaphore_mem>>)
        } else {
        }
        %add3A_71 = arith.constant 1 : i32
        %add3A_72 = arith.addi %mul3A_59, %add3A_71 : i32
        %dma_wait3A_73 = arith.constant 0 : i32
        %dma_wait3A_74 = tpu.memref_slice %arg8[%add3A_72, %dma_wait3A_73] : memref<40x128xi32, #tpu.memory_space<vmem>> -> memref<1x128xi32, #tpu.memory_space<vmem>>
        %dma_wait3A_75 = tpu.memref_squeeze %dma_wait3A_74 : memref<1x128xi32, #tpu.memory_space<vmem>> -> memref<128xi32, #tpu.memory_space<vmem>>
        %dma_wait3A_76 = arith.constant 0 : i32
        %dma_wait3A_77 = arith.constant 0 : i32
        %dma_wait3A_78 = tpu.memref_slice %arg3[%dma_wait3A_76, %dma_wait3A_77] : memref<10000x128xf32, #tpu.memory_space<hbm>> -> memref<10000x128xf32, #tpu.memory_space<hbm>>
        tpu.wait_indirect_dma semaphore(%arg14 : memref<!tpu.dma_semaphore, #tpu.memory_space<semaphore_mem>>) src(%dma_wait3A_78 : memref<10000x128xf32, #tpu.memory_space<hbm>>) dst(%arg11 : memref<128x128xf32, #tpu.memory_space<vmem>>)
        %add3A_79 = arith.constant 1 : i32
        %add3A_80 = arith.addi %mul3A_59, %add3A_79 : i32
        "tpu.region"() ({
          %run_scoped3A = tpu.sem_alloc : memref<!tpu.dma_semaphore, #tpu.memory_space<semaphore_mem>>
          %dma_start3A_88 = arith.constant 0 : i32
          %dma_start3A_89 = tpu.memref_slice %arg9[%add3A_80, %dma_start3A_88] : memref<40x128xi32, #tpu.memory_space<vmem>> -> memref<1x128xi32, #tpu.memory_space<vmem>>
          %dma_start3A_90 = tpu.memref_squeeze %dma_start3A_89 : memref<1x128xi32, #tpu.memory_space<vmem>> -> memref<128xi32, #tpu.memory_space<vmem>>
          %dma_start3A_91 = arith.constant 0 : i32
          %dma_start3A_92 = arith.constant 0 : i32
          %dma_start3A_93 = tpu.memref_slice %arg12[%dma_start3A_91, %dma_start3A_92] : memref<10240x128xf32, #tpu.memory_space<vmem_shared>> -> memref<10240x128xf32, #tpu.memory_space<vmem_shared>>
          tpu.enqueue_indirect_dma source(%arg11 : memref<128x128xf32, #tpu.memory_space<vmem>>) target(%dma_start3A_93 : memref<10240x128xf32, #tpu.memory_space<vmem_shared>>) offsets(%dma_start3A_90 : memref<128xi32, #tpu.memory_space<vmem>>) semaphore(%run_scoped3A : memref<!tpu.dma_semaphore, #tpu.memory_space<semaphore_mem>>) {add = true}
          %dma_wait3A_94 = arith.constant 0 : i32
          %dma_wait3A_95 = tpu.memref_slice %arg9[%add3A_80, %dma_wait3A_94] : memref<40x128xi32, #tpu.memory_space<vmem>> -> memref<1x128xi32, #tpu.memory_space<vmem>>
          %dma_wait3A_96 = tpu.memref_squeeze %dma_wait3A_95 : memref<1x128xi32, #tpu.memory_space<vmem>> -> memref<128xi32, #tpu.memory_space<vmem>>
          %dma_wait3A_97 = arith.constant 0 : i32
          %dma_wait3A_98 = arith.constant 0 : i32
          %dma_wait3A_99 = tpu.memref_slice %arg12[%dma_wait3A_97, %dma_wait3A_98] : memref<10240x128xf32, #tpu.memory_space<vmem_shared>> -> memref<10240x128xf32, #tpu.memory_space<vmem_shared>>
          tpu.wait_indirect_dma semaphore(%run_scoped3A : memref<!tpu.dma_semaphore, #tpu.memory_space<semaphore_mem>>) src(%arg11 : memref<128x128xf32, #tpu.memory_space<vmem>>) dst(%dma_wait3A_99 : memref<10240x128xf32, #tpu.memory_space<vmem_shared>>)
          tpu.yield
        }) : () -> ()
        %add3A_81 = arith.constant 1 : i32
        %add3A_82 = arith.addi %scan3A_57, %add3A_81 : i32
        %lt3A_83 = arith.constant 20 : i32
        %lt3A_84 = arith.cmpi slt, %add3A_82, %lt3A_83 : i32
        %convert_element_type3A_85 = arith.extui %lt3A_84 : i1 to i32
        %cond3A_86 = arith.constant 0 : i32
        %cond3A_87 = arith.cmpi ne, %convert_element_type3A_85, %cond3A_86 : i32
        scf.if %cond3A_87 {
          %add3A_88 = arith.constant 3 : i32
          %add3A_89 = arith.addi %mul3A_59, %add3A_88 : i32
          %dma_start3A_90 = arith.constant 0 : i32
          %dma_start3A_91 = tpu.memref_slice %arg8[%add3A_89, %dma_start3A_90] : memref<40x128xi32, #tpu.memory_space<vmem>> -> memref<1x128xi32, #tpu.memory_space<vmem>>
          %dma_start3A_92 = tpu.memref_squeeze %dma_start3A_91 : memref<1x128xi32, #tpu.memory_space<vmem>> -> memref<128xi32, #tpu.memory_space<vmem>>
          %dma_start3A_93 = arith.constant 0 : i32
          %dma_start3A_94 = arith.constant 0 : i32
          %dma_start3A_95 = tpu.memref_slice %arg3[%dma_start3A_93, %dma_start3A_94] : memref<10000x128xf32, #tpu.memory_space<hbm>> -> memref<10000x128xf32, #tpu.memory_space<hbm>>
          tpu.enqueue_indirect_dma source(%dma_start3A_95 : memref<10000x128xf32, #tpu.memory_space<hbm>>) target(%arg11 : memref<128x128xf32, #tpu.memory_space<vmem>>) offsets(%dma_start3A_92 : memref<128xi32, #tpu.memory_space<vmem>>) semaphore(%arg14 : memref<!tpu.dma_semaphore, #tpu.memory_space<semaphore_mem>>)
        } else {
        }
      }
      %scan3A_32 = arith.constant 20 : i32
      %mul3A_33 = arith.constant 80 : i32
      %mul3A_34 = arith.muli %arg1, %mul3A_33 : i32
      %add3A_35 = arith.constant 40 : i32
      %add3A_36 = arith.addi %mul3A_34, %add3A_35 : i32
      "tpu.region"() ({
        %run_scoped3A = tpu.sem_alloc : memref<!tpu.dma_semaphore, #tpu.memory_space<semaphore_mem>>
        %dma_start3A_57 = arith.constant 0 : i32
        %dma_start3A_58 = tpu.memref_slice %arg4[%add3A_36, %dma_start3A_57] : memref<1280x128xi32, #tpu.memory_space<hbm>> -> memref<40x128xi32, #tpu.memory_space<hbm>>
        %dma_start3A_59 = arith.constant 0 : i32
        %dma_start3A_60 = tpu.memref_slice %arg4[%add3A_36, %dma_start3A_59] : memref<1280x128xi32, #tpu.memory_space<hbm>> -> memref<40x128xi32, #tpu.memory_space<hbm>>
        tpu.enqueue_dma source(%dma_start3A_60 : memref<40x128xi32, #tpu.memory_space<hbm>>) target(%arg8 : memref<40x128xi32, #tpu.memory_space<vmem>>) target_semaphore(%run_scoped3A : memref<!tpu.dma_semaphore, #tpu.memory_space<semaphore_mem>>)
        %dma_wait3A = arith.constant 0 : i32
        %dma_wait3A_61 = tpu.memref_slice %arg4[%add3A_36, %dma_wait3A] : memref<1280x128xi32, #tpu.memory_space<hbm>> -> memref<40x128xi32, #tpu.memory_space<hbm>>
        %dma_wait3A_62 = arith.constant 0 : i32
        %dma_wait3A_63 = tpu.memref_slice %arg4[%add3A_36, %dma_wait3A_62] : memref<1280x128xi32, #tpu.memory_space<hbm>> -> memref<40x128xi32, #tpu.memory_space<hbm>>
        tpu.wait_dma2 semaphore(%run_scoped3A : memref<!tpu.dma_semaphore, #tpu.memory_space<semaphore_mem>>) src(%dma_wait3A_63 : memref<40x128xi32, #tpu.memory_space<hbm>>) dst(%arg8 : memref<40x128xi32, #tpu.memory_space<vmem>>)
        tpu.yield
      }) : () -> ()
      "tpu.region"() ({
        %run_scoped3A = tpu.sem_alloc : memref<!tpu.dma_semaphore, #tpu.memory_space<semaphore_mem>>
        %dma_start3A_57 = arith.constant 0 : i32
        %dma_start3A_58 = tpu.memref_slice %arg5[%add3A_36, %dma_start3A_57] : memref<1280x128xi32, #tpu.memory_space<hbm>> -> memref<40x128xi32, #tpu.memory_space<hbm>>
        %dma_start3A_59 = arith.constant 0 : i32
        %dma_start3A_60 = tpu.memref_slice %arg5[%add3A_36, %dma_start3A_59] : memref<1280x128xi32, #tpu.memory_space<hbm>> -> memref<40x128xi32, #tpu.memory_space<hbm>>
        tpu.enqueue_dma source(%dma_start3A_60 : memref<40x128xi32, #tpu.memory_space<hbm>>) target(%arg9 : memref<40x128xi32, #tpu.memory_space<vmem>>) target_semaphore(%run_scoped3A : memref<!tpu.dma_semaphore, #tpu.memory_space<semaphore_mem>>)
        %dma_wait3A = arith.constant 0 : i32
        %dma_wait3A_61 = tpu.memref_slice %arg5[%add3A_36, %dma_wait3A] : memref<1280x128xi32, #tpu.memory_space<hbm>> -> memref<40x128xi32, #tpu.memory_space<hbm>>
        %dma_wait3A_62 = arith.constant 0 : i32
        %dma_wait3A_63 = tpu.memref_slice %arg5[%add3A_36, %dma_wait3A_62] : memref<1280x128xi32, #tpu.memory_space<hbm>> -> memref<40x128xi32, #tpu.memory_space<hbm>>
        tpu.wait_dma2 semaphore(%run_scoped3A : memref<!tpu.dma_semaphore, #tpu.memory_space<semaphore_mem>>) src(%dma_wait3A_63 : memref<40x128xi32, #tpu.memory_space<hbm>>) dst(%arg9 : memref<40x128xi32, #tpu.memory_space<vmem>>)
        tpu.yield
      }) : () -> ()
      %dma_start3A_37 = arith.constant 0 : i32
      %dma_start3A_38 = arith.constant 0 : i32
      %dma_start3A_39 = tpu.memref_slice %arg8[%dma_start3A_37, %dma_start3A_38] : memref<40x128xi32, #tpu.memory_space<vmem>> -> memref<1x128xi32, #tpu.memory_space<vmem>>
      %dma_start3A_40 = tpu.memref_squeeze %dma_start3A_39 : memref<1x128xi32, #tpu.memory_space<vmem>> -> memref<128xi32, #tpu.memory_space<vmem>>
      %dma_start3A_41 = arith.constant 0 : i32
      %dma_start3A_42 = arith.constant 0 : i32
      %dma_start3A_43 = tpu.memref_slice %arg3[%dma_start3A_41, %dma_start3A_42] : memref<10000x128xf32, #tpu.memory_space<hbm>> -> memref<10000x128xf32, #tpu.memory_space<hbm>>
      tpu.enqueue_indirect_dma source(%dma_start3A_43 : memref<10000x128xf32, #tpu.memory_space<hbm>>) target(%arg10 : memref<128x128xf32, #tpu.memory_space<vmem>>) offsets(%dma_start3A_40 : memref<128xi32, #tpu.memory_space<vmem>>) semaphore(%arg13 : memref<!tpu.dma_semaphore, #tpu.memory_space<semaphore_mem>>)
      %dma_start3A_44 = arith.constant 1 : i32
      %dma_start3A_45 = arith.constant 0 : i32
      %dma_start3A_46 = tpu.memref_slice %arg8[%dma_start3A_44, %dma_start3A_45] : memref<40x128xi32, #tpu.memory_space<vmem>> -> memref<1x128xi32, #tpu.memory_space<vmem>>
      %dma_start3A_47 = tpu.memref_squeeze %dma_start3A_46 : memref<1x128xi32, #tpu.memory_space<vmem>> -> memref<128xi32, #tpu.memory_space<vmem>>
      %dma_start3A_48 = arith.constant 0 : i32
      %dma_start3A_49 = arith.constant 0 : i32
      %dma_start3A_50 = tpu.memref_slice %arg3[%dma_start3A_48, %dma_start3A_49] : memref<10000x128xf32, #tpu.memory_space<hbm>> -> memref<10000x128xf32, #tpu.memory_space<hbm>>
      tpu.enqueue_indirect_dma source(%dma_start3A_50 : memref<10000x128xf32, #tpu.memory_space<hbm>>) target(%arg11 : memref<128x128xf32, #tpu.memory_space<vmem>>) offsets(%dma_start3A_47 : memref<128xi32, #tpu.memory_space<vmem>>) semaphore(%arg14 : memref<!tpu.dma_semaphore, #tpu.memory_space<semaphore_mem>>)
      %scan3A_51 = arith.constant 0 : i32
      %scan3A_52 = arith.constant 0 : i32
      %scan3A_53 = arith.constant 20 : i32
      %scan3A_54 = arith.addi %scan3A_52, %scan3A_53 : i32
      %scan3A_55 = arith.constant 1 : i32
      scf.for %scan3A_57 = %scan3A_52 to %scan3A_54 step %scan3A_55  : i32 {
        %mul3A_58 = arith.constant 2 : i32
        %mul3A_59 = arith.muli %mul3A_58, %scan3A_57 : i32
        %dma_wait3A = arith.constant 0 : i32
        %dma_wait3A_60 = tpu.memref_slice %arg8[%mul3A_59, %dma_wait3A] : memref<40x128xi32, #tpu.memory_space<vmem>> -> memref<1x128xi32, #tpu.memory_space<vmem>>
        %dma_wait3A_61 = tpu.memref_squeeze %dma_wait3A_60 : memref<1x128xi32, #tpu.memory_space<vmem>> -> memref<128xi32, #tpu.memory_space<vmem>>
        %dma_wait3A_62 = arith.constant 0 : i32
        %dma_wait3A_63 = arith.constant 0 : i32
        %dma_wait3A_64 = tpu.memref_slice %arg3[%dma_wait3A_62, %dma_wait3A_63] : memref<10000x128xf32, #tpu.memory_space<hbm>> -> memref<10000x128xf32, #tpu.memory_space<hbm>>
        tpu.wait_indirect_dma semaphore(%arg13 : memref<!tpu.dma_semaphore, #tpu.memory_space<semaphore_mem>>) src(%dma_wait3A_64 : memref<10000x128xf32, #tpu.memory_space<hbm>>) dst(%arg10 : memref<128x128xf32, #tpu.memory_space<vmem>>)
        "tpu.region"() ({
          %run_scoped3A = tpu.sem_alloc : memref<!tpu.dma_semaphore, #tpu.memory_space<semaphore_mem>>
          %dma_start3A_88 = arith.constant 0 : i32
          %dma_start3A_89 = tpu.memref_slice %arg9[%mul3A_59, %dma_start3A_88] : memref<40x128xi32, #tpu.memory_space<vmem>> -> memref<1x128xi32, #tpu.memory_space<vmem>>
          %dma_start3A_90 = tpu.memref_squeeze %dma_start3A_89 : memref<1x128xi32, #tpu.memory_space<vmem>> -> memref<128xi32, #tpu.memory_space<vmem>>
          %dma_start3A_91 = arith.constant 0 : i32
          %dma_start3A_92 = arith.constant 0 : i32
          %dma_start3A_93 = tpu.memref_slice %arg12[%dma_start3A_91, %dma_start3A_92] : memref<10240x128xf32, #tpu.memory_space<vmem_shared>> -> memref<10240x128xf32, #tpu.memory_space<vmem_shared>>
          tpu.enqueue_indirect_dma source(%arg10 : memref<128x128xf32, #tpu.memory_space<vmem>>) target(%dma_start3A_93 : memref<10240x128xf32, #tpu.memory_space<vmem_shared>>) offsets(%dma_start3A_90 : memref<128xi32, #tpu.memory_space<vmem>>) semaphore(%run_scoped3A : memref<!tpu.dma_semaphore, #tpu.memory_space<semaphore_mem>>) {add = true}
          %dma_wait3A_94 = arith.constant 0 : i32
          %dma_wait3A_95 = tpu.memref_slice %arg9[%mul3A_59, %dma_wait3A_94] : memref<40x128xi32, #tpu.memory_space<vmem>> -> memref<1x128xi32, #tpu.memory_space<vmem>>
          %dma_wait3A_96 = tpu.memref_squeeze %dma_wait3A_95 : memref<1x128xi32, #tpu.memory_space<vmem>> -> memref<128xi32, #tpu.memory_space<vmem>>
          %dma_wait3A_97 = arith.constant 0 : i32
          %dma_wait3A_98 = arith.constant 0 : i32
          %dma_wait3A_99 = tpu.memref_slice %arg12[%dma_wait3A_97, %dma_wait3A_98] : memref<10240x128xf32, #tpu.memory_space<vmem_shared>> -> memref<10240x128xf32, #tpu.memory_space<vmem_shared>>
          tpu.wait_indirect_dma semaphore(%run_scoped3A : memref<!tpu.dma_semaphore, #tpu.memory_space<semaphore_mem>>) src(%arg10 : memref<128x128xf32, #tpu.memory_space<vmem>>) dst(%dma_wait3A_99 : memref<10240x128xf32, #tpu.memory_space<vmem_shared>>)
          tpu.yield
        }) : () -> ()
        %add3A_65 = arith.constant 1 : i32
        %add3A_66 = arith.addi %scan3A_57, %add3A_65 : i32
        %lt3A = arith.constant 20 : i32
        %lt3A_67 = arith.cmpi slt, %add3A_66, %lt3A : i32
        %convert_element_type3A_68 = arith.extui %lt3A_67 : i1 to i32
        %cond3A_69 = arith.constant 0 : i32
        %cond3A_70 = arith.cmpi ne, %convert_element_type3A_68, %cond3A_69 : i32
        scf.if %cond3A_70 {
          %add3A_88 = arith.constant 2 : i32
          %add3A_89 = arith.addi %mul3A_59, %add3A_88 : i32
          %dma_start3A_90 = arith.constant 0 : i32
          %dma_start3A_91 = tpu.memref_slice %arg8[%add3A_89, %dma_start3A_90] : memref<40x128xi32, #tpu.memory_space<vmem>> -> memref<1x128xi32, #tpu.memory_space<vmem>>
          %dma_start3A_92 = tpu.memref_squeeze %dma_start3A_91 : memref<1x128xi32, #tpu.memory_space<vmem>> -> memref<128xi32, #tpu.memory_space<vmem>>
          %dma_start3A_93 = arith.constant 0 : i32
          %dma_start3A_94 = arith.constant 0 : i32
          %dma_start3A_95 = tpu.memref_slice %arg3[%dma_start3A_93, %dma_start3A_94] : memref<10000x128xf32, #tpu.memory_space<hbm>> -> memref<10000x128xf32, #tpu.memory_space<hbm>>
          tpu.enqueue_indirect_dma source(%dma_start3A_95 : memref<10000x128xf32, #tpu.memory_space<hbm>>) target(%arg10 : memref<128x128xf32, #tpu.memory_space<vmem>>) offsets(%dma_start3A_92 : memref<128xi32, #tpu.memory_space<vmem>>) semaphore(%arg13 : memref<!tpu.dma_semaphore, #tpu.memory_space<semaphore_mem>>)
        } else {
        }
        %add3A_71 = arith.constant 1 : i32
        %add3A_72 = arith.addi %mul3A_59, %add3A_71 : i32
        %dma_wait3A_73 = arith.constant 0 : i32
        %dma_wait3A_74 = tpu.memref_slice %arg8[%add3A_72, %dma_wait3A_73] : memref<40x128xi32, #tpu.memory_space<vmem>> -> memref<1x128xi32, #tpu.memory_space<vmem>>
        %dma_wait3A_75 = tpu.memref_squeeze %dma_wait3A_74 : memref<1x128xi32, #tpu.memory_space<vmem>> -> memref<128xi32, #tpu.memory_space<vmem>>
        %dma_wait3A_76 = arith.constant 0 : i32
        %dma_wait3A_77 = arith.constant 0 : i32
        %dma_wait3A_78 = tpu.memref_slice %arg3[%dma_wait3A_76, %dma_wait3A_77] : memref<10000x128xf32, #tpu.memory_space<hbm>> -> memref<10000x128xf32, #tpu.memory_space<hbm>>
        tpu.wait_indirect_dma semaphore(%arg14 : memref<!tpu.dma_semaphore, #tpu.memory_space<semaphore_mem>>) src(%dma_wait3A_78 : memref<10000x128xf32, #tpu.memory_space<hbm>>) dst(%arg11 : memref<128x128xf32, #tpu.memory_space<vmem>>)
        %add3A_79 = arith.constant 1 : i32
        %add3A_80 = arith.addi %mul3A_59, %add3A_79 : i32
        "tpu.region"() ({
          %run_scoped3A = tpu.sem_alloc : memref<!tpu.dma_semaphore, #tpu.memory_space<semaphore_mem>>
          %dma_start3A_88 = arith.constant 0 : i32
          %dma_start3A_89 = tpu.memref_slice %arg9[%add3A_80, %dma_start3A_88] : memref<40x128xi32, #tpu.memory_space<vmem>> -> memref<1x128xi32, #tpu.memory_space<vmem>>
          %dma_start3A_90 = tpu.memref_squeeze %dma_start3A_89 : memref<1x128xi32, #tpu.memory_space<vmem>> -> memref<128xi32, #tpu.memory_space<vmem>>
          %dma_start3A_91 = arith.constant 0 : i32
          %dma_start3A_92 = arith.constant 0 : i32
          %dma_start3A_93 = tpu.memref_slice %arg12[%dma_start3A_91, %dma_start3A_92] : memref<10240x128xf32, #tpu.memory_space<vmem_shared>> -> memref<10240x128xf32, #tpu.memory_space<vmem_shared>>
          tpu.enqueue_indirect_dma source(%arg11 : memref<128x128xf32, #tpu.memory_space<vmem>>) target(%dma_start3A_93 : memref<10240x128xf32, #tpu.memory_space<vmem_shared>>) offsets(%dma_start3A_90 : memref<128xi32, #tpu.memory_space<vmem>>) semaphore(%run_scoped3A : memref<!tpu.dma_semaphore, #tpu.memory_space<semaphore_mem>>) {add = true}
          %dma_wait3A_94 = arith.constant 0 : i32
          %dma_wait3A_95 = tpu.memref_slice %arg9[%add3A_80, %dma_wait3A_94] : memref<40x128xi32, #tpu.memory_space<vmem>> -> memref<1x128xi32, #tpu.memory_space<vmem>>
          %dma_wait3A_96 = tpu.memref_squeeze %dma_wait3A_95 : memref<1x128xi32, #tpu.memory_space<vmem>> -> memref<128xi32, #tpu.memory_space<vmem>>
          %dma_wait3A_97 = arith.constant 0 : i32
          %dma_wait3A_98 = arith.constant 0 : i32
          %dma_wait3A_99 = tpu.memref_slice %arg12[%dma_wait3A_97, %dma_wait3A_98] : memref<10240x128xf32, #tpu.memory_space<vmem_shared>> -> memref<10240x128xf32, #tpu.memory_space<vmem_shared>>
          tpu.wait_indirect_dma semaphore(%run_scoped3A : memref<!tpu.dma_semaphore, #tpu.memory_space<semaphore_mem>>) src(%arg11 : memref<128x128xf32, #tpu.memory_space<vmem>>) dst(%dma_wait3A_99 : memref<10240x128xf32, #tpu.memory_space<vmem_shared>>)
          tpu.yield
        }) : () -> ()
        %add3A_81 = arith.constant 1 : i32
        %add3A_82 = arith.addi %scan3A_57, %add3A_81 : i32
        %lt3A_83 = arith.constant 20 : i32
        %lt3A_84 = arith.cmpi slt, %add3A_82, %lt3A_83 : i32
        %convert_element_type3A_85 = arith.extui %lt3A_84 : i1 to i32
        %cond3A_86 = arith.constant 0 : i32
        %cond3A_87 = arith.cmpi ne, %convert_element_type3A_85, %cond3A_86 : i32
        scf.if %cond3A_87 {
          %add3A_88 = arith.constant 3 : i32
          %add3A_89 = arith.addi %mul3A_59, %add3A_88 : i32
          %dma_start3A_90 = arith.constant 0 : i32
          %dma_start3A_91 = tpu.memref_slice %arg8[%add3A_89, %dma_start3A_90] : memref<40x128xi32, #tpu.memory_space<vmem>> -> memref<1x128xi32, #tpu.memory_space<vmem>>
          %dma_start3A_92 = tpu.memref_squeeze %dma_start3A_91 : memref<1x128xi32, #tpu.memory_space<vmem>> -> memref<128xi32, #tpu.memory_space<vmem>>
          %dma_start3A_93 = arith.constant 0 : i32
          %dma_start3A_94 = arith.constant 0 : i32
          %dma_start3A_95 = tpu.memref_slice %arg3[%dma_start3A_93, %dma_start3A_94] : memref<10000x128xf32, #tpu.memory_space<hbm>> -> memref<10000x128xf32, #tpu.memory_space<hbm>>
          tpu.enqueue_indirect_dma source(%dma_start3A_95 : memref<10000x128xf32, #tpu.memory_space<hbm>>) target(%arg11 : memref<128x128xf32, #tpu.memory_space<vmem>>) offsets(%dma_start3A_92 : memref<128xi32, #tpu.memory_space<vmem>>) semaphore(%arg14 : memref<!tpu.dma_semaphore, #tpu.memory_space<semaphore_mem>>)
        } else {
        }
      }
      %scan3A_56 = arith.constant 20 : i32
    } else {
    }
    %barrier3A_8 = arith.constant 0 : index
    tpu.barrier barrier_id(%barrier3A_8)
    %mul3A_9 = arith.constant 10240 : i32
    %mul3A_10 = arith.muli %arg0, %mul3A_9 : i32
    %add3A = arith.addi %mul3A_10, %mul3A_0 : i32
    "tpu.region"() ({
      %run_scoped3A = tpu.sem_alloc : memref<!tpu.dma_semaphore, #tpu.memory_space<semaphore_mem>>
      %dma_start3A = arith.constant 0 : i32
      %dma_start3A_11 = tpu.memref_slice %arg7[%add3A, %dma_start3A] : memref<20480x128xf32, #tpu.memory_space<hbm>> -> memref<640x128xf32, #tpu.memory_space<hbm>>
      %dma_start3A_12 = arith.constant 0 : i32
      %dma_start3A_13 = tpu.memref_slice %arg12[%mul3A_0, %dma_start3A_12] : memref<10240x128xf32, #tpu.memory_space<vmem_shared>> -> memref<640x128xf32, #tpu.memory_space<vmem_shared>>
      tpu.enqueue_dma source(%dma_start3A_13 : memref<640x128xf32, #tpu.memory_space<vmem_shared>>) target(%dma_start3A_11 : memref<640x128xf32, #tpu.memory_space<hbm>>) target_semaphore(%run_scoped3A : memref<!tpu.dma_semaphore, #tpu.memory_space<semaphore_mem>>)
      %dma_wait3A = arith.constant 0 : i32
      %dma_wait3A_14 = tpu.memref_slice %arg7[%add3A, %dma_wait3A] : memref<20480x128xf32, #tpu.memory_space<hbm>> -> memref<640x128xf32, #tpu.memory_space<hbm>>
      %dma_wait3A_15 = arith.constant 0 : i32
      %dma_wait3A_16 = tpu.memref_slice %arg12[%mul3A_0, %dma_wait3A_15] : memref<10240x128xf32, #tpu.memory_space<vmem_shared>> -> memref<640x128xf32, #tpu.memory_space<vmem_shared>>
      tpu.wait_dma2 semaphore(%run_scoped3A : memref<!tpu.dma_semaphore, #tpu.memory_space<semaphore_mem>>) src(%dma_wait3A_16 : memref<640x128xf32, #tpu.memory_space<vmem_shared>>) dst(%dma_wait3A_14 : memref<640x128xf32, #tpu.memory_space<hbm>>)
      tpu.yield
    }) : () -> ()
    return
  }
}

module attributes {stable_mosaic.version = 14 : i64} {
  func.func @body(%arg0: i32, %arg1: memref<400x256xf32, #tpu.memory_space<vmem>>, %arg2: memref<256x256xf32, #tpu.memory_space<vmem>>, %arg3: memref<1x400x128xf32, #tpu.memory_space<vmem>>, %arg4: memref<1x400x128xf32, #tpu.memory_space<vmem>>, %arg5: memref<400x128xf32, #tpu.memory_space<vmem>>, %arg6: memref<400x128xf32, #tpu.memory_space<vmem>>) attributes {dimension_semantics = [#tpu.dimension_semantics<arbitrary>], iteration_bounds = array<i64: 25>, scalar_prefetch = 0 : i64, scratch_operands = 0 : i64, tpu.core_type = #tpu.core_type<tc>, window_params = [{transform_indices = @transform_0, window_bounds = array<i64: 400, 256>}, {pipeline_mode = #tpu.pipeline_mode<synchronous>, transform_indices = @transform_1, window_bounds = array<i64: 256, 256>}, {transform_indices = @transform_2, window_bounds = array<i64: 1, 400, 128>}, {transform_indices = @transform_3, window_bounds = array<i64: 1, 400, 128>}, {transform_indices = @transform_4, window_bounds = array<i64: 400, 128>}, {transform_indices = @transform_5, window_bounds = array<i64: 400, 128>}]} {
    %get3A = arith.constant 0 : index
    %get3A_0 = arith.constant 0 : index
    %get3A_1 = arith.constant 0 : index
    %get3A_2 = vector.load %arg3[%get3A, %get3A_0, %get3A_1] : memref<1x400x128xf32, #tpu.memory_space<vmem>>, vector<1x400x1xf32>
    %get3A_3 = vector.shape_cast %get3A_2 : vector<1x400x1xf32> to vector<400x1xf32>
    %add3A = arith.constant 1.000000e+00 : f32
    %add3A_4 = vector.broadcast %add3A : f32 to vector<400x1xf32>
    %add3A_5 = arith.addf %add3A_4, %get3A_3 : vector<400x1xf32>
    %get3A_6 = arith.constant 0 : index
    %get3A_7 = arith.constant 0 : index
    %get3A_8 = arith.constant 0 : index
    %get3A_9 = vector.load %arg4[%get3A_6, %get3A_7, %get3A_8] : memref<1x400x128xf32, #tpu.memory_space<vmem>>, vector<1x400x1xf32>
    %get3A_10 = vector.shape_cast %get3A_9 : vector<1x400x1xf32> to vector<400x1xf32>
    %add3A_11 = arith.addf %add3A_5, %get3A_10 : vector<400x1xf32>
    %rsqrt3A = math.rsqrt %add3A_11 : vector<400x1xf32>
    %get3A_12 = arith.constant 0 : index
    %get3A_13 = arith.constant 0 : index
    %get3A_14 = vector.load %arg1[%get3A_12, %get3A_13] : memref<400x256xf32, #tpu.memory_space<vmem>>, vector<400x256xf32>
    %get3A_15 = arith.constant 0 : index
    %get3A_16 = arith.constant 0 : index
    %get3A_17 = vector.load %arg2[%get3A_15, %get3A_16] : memref<256x256xf32, #tpu.memory_space<vmem>>, vector<256x256xf32>
    %dot_general3A = arith.constant dense<0.000000e+00> : vector<400x256xf32>
    %dot_general3A_18 = tpu.matmul %get3A_14, %get3A_17, %dot_general3A {dimension_numbers = #tpu.dot_dimension_numbers<[1], [0], [0], [1], [0, 0, 1, 1], [], []>, transpose_lhs_hint = false} : vector<400x256xf32>, vector<256x256xf32>, vector<400x256xf32> -> vector<400x256xf32>
    %mul3A = vector.broadcast %rsqrt3A : vector<400x1xf32> to vector<400x256xf32>
    %mul3A_19 = arith.mulf %mul3A, %dot_general3A_18 : vector<400x256xf32>
    %slice3A = vector.extract_strided_slice %mul3A_19 {offsets = [0, 0], sizes = [400, 128], strides = [1, 1]} : vector<400x256xf32> to vector<400x128xf32>
    %swap3A = arith.constant 0 : index
    %swap3A_20 = arith.constant 0 : index
    %swap3A_21 = vector.load %arg5[%swap3A, %swap3A_20] : memref<400x128xf32, #tpu.memory_space<vmem>>, vector<400x128xf32>
    tpu.vector_store %arg5[%swap3A, %swap3A_20], %slice3A {strides = array<i32>} : memref<400x128xf32, #tpu.memory_space<vmem>>, vector<400x128xf32>,
    %slice3A_22 = vector.extract_strided_slice %mul3A_19 {offsets = [0, 128], sizes = [400, 128], strides = [1, 1]} : vector<400x256xf32> to vector<400x128xf32>
    %swap3A_23 = arith.constant 0 : index
    %swap3A_24 = arith.constant 0 : index
    %swap3A_25 = vector.load %arg6[%swap3A_23, %swap3A_24] : memref<400x128xf32, #tpu.memory_space<vmem>>, vector<400x128xf32>
    tpu.vector_store %arg6[%swap3A_23, %swap3A_24], %slice3A_22 {strides = array<i32>} : memref<400x128xf32, #tpu.memory_space<vmem>>, vector<400x128xf32>,
    return
  }
  func.func @transform_0(%arg0: i32) -> (i32, i32) {
    %c0_i32 = arith.constant 0 : i32
    %c0_i32_0 = arith.constant 0 : i32
    return %arg0, %c0_i32 : i32, i32
  }
  func.func @transform_1(%arg0: i32) -> (i32, i32) {
    %c0_i32 = arith.constant 0 : i32
    %c0_i32_0 = arith.constant 0 : i32
    %c0_i32_1 = arith.constant 0 : i32
    return %c0_i32, %c0_i32_0 : i32, i32
  }
  func.func @transform_2(%arg0: i32) -> (i32, i32, i32) {
    %c0_i32 = arith.constant 0 : i32
    %c0_i32_0 = arith.constant 0 : i32
    %c0_i32_1 = arith.constant 0 : i32
    return %c0_i32, %arg0, %c0_i32_0 : i32, i32, i32
  }
  func.func @transform_3(%arg0: i32) -> (i32, i32, i32) {
    %c1_i32 = arith.constant 1 : i32
    %c0_i32 = arith.constant 0 : i32
    %c0_i32_0 = arith.constant 0 : i32
    return %c1_i32, %arg0, %c0_i32 : i32, i32, i32
  }
  func.func @transform_4(%arg0: i32) -> (i32, i32) {
    %c0_i32 = arith.constant 0 : i32
    %c0_i32_0 = arith.constant 0 : i32
    return %arg0, %c0_i32 : i32, i32
  }
  func.func @transform_5(%arg0: i32) -> (i32, i32) {
    %c0_i32 = arith.constant 0 : i32
    %c0_i32_0 = arith.constant 0 : i32
    return %arg0, %c0_i32 : i32, i32
  }
}

module attributes {stable_mosaic.version = 14 : i64} {
  func.func @body(%arg0: i32, %arg1: memref<1x400x128xf32, #tpu.memory_space<vmem>>, %arg2: memref<1x400x128xf32, #tpu.memory_space<vmem>>, %arg3: memref<1x400x128xf32, #tpu.memory_space<vmem>>, %arg4: memref<1x400x128xf32, #tpu.memory_space<vmem>>, %arg5: memref<400x128xf32, #tpu.memory_space<vmem>>, %arg6: memref<400x128xf32, #tpu.memory_space<vmem>>, %arg7: memref<1x256xf32, #tpu.memory_space<vmem>>, %arg8: memref<1x1xf32, #tpu.memory_space<vmem>>, %arg9: memref<400x256xf32, #tpu.memory_space<vmem>>) attributes {dimension_semantics = [#tpu.dimension_semantics<arbitrary>], iteration_bounds = array<i64: 25>, scalar_prefetch = 0 : i64, scratch_operands = 0 : i64, tpu.core_type = #tpu.core_type<tc>, window_params = [{transform_indices = @transform_0, window_bounds = array<i64: 1, 400, 128>}, {transform_indices = @transform_1, window_bounds = array<i64: 1, 400, 128>}, {transform_indices = @transform_2, window_bounds = array<i64: 1, 400, 128>}, {transform_indices = @transform_3, window_bounds = array<i64: 1, 400, 128>}, {transform_indices = @transform_4, window_bounds = array<i64: 400, 128>}, {transform_indices = @transform_5, window_bounds = array<i64: 400, 128>}, {pipeline_mode = #tpu.pipeline_mode<synchronous>, transform_indices = @transform_6, window_bounds = array<i64: 1, 256>}, {pipeline_mode = #tpu.pipeline_mode<synchronous>, transform_indices = @transform_7, window_bounds = array<i64: 1, 1>}, {transform_indices = @transform_8, window_bounds = array<i64: 400, 256>}]} {
    %get3A = arith.constant 0 : index
    %get3A_0 = arith.constant 0 : index
    %get3A_1 = arith.constant 0 : index
    %get3A_2 = vector.load %arg1[%get3A, %get3A_0, %get3A_1] : memref<1x400x128xf32, #tpu.memory_space<vmem>>, vector<1x400x1xf32>
    %get3A_3 = vector.shape_cast %get3A_2 : vector<1x400x1xf32> to vector<400x1xf32>
    %add3A = arith.constant 1.000000e+00 : f32
    %add3A_4 = vector.broadcast %add3A : f32 to vector<400x1xf32>
    %add3A_5 = arith.addf %add3A_4, %get3A_3 : vector<400x1xf32>
    %get3A_6 = arith.constant 0 : index
    %get3A_7 = arith.constant 0 : index
    %get3A_8 = arith.constant 0 : index
    %get3A_9 = vector.load %arg2[%get3A_6, %get3A_7, %get3A_8] : memref<1x400x128xf32, #tpu.memory_space<vmem>>, vector<1x400x1xf32>
    %get3A_10 = vector.shape_cast %get3A_9 : vector<1x400x1xf32> to vector<400x1xf32>
    %add3A_11 = arith.addf %add3A_5, %get3A_10 : vector<400x1xf32>
    %rsqrt3A = math.rsqrt %add3A_11 : vector<400x1xf32>
    %get3A_12 = arith.constant 0 : index
    %get3A_13 = arith.constant 0 : index
    %get3A_14 = vector.load %arg8[%get3A_12, %get3A_13] : memref<1x1xf32, #tpu.memory_space<vmem>>, vector<1x1xf32>
    %get3A_15 = vector.extract %get3A_14[0, 0] : f32 from vector<1x1xf32>
    %get3A_16 = arith.constant 0 : index
    %get3A_17 = arith.constant 0 : index
    %get3A_18 = arith.constant 0 : index
    %get3A_19 = vector.load %arg3[%get3A_16, %get3A_17, %get3A_18] : memref<1x400x128xf32, #tpu.memory_space<vmem>>, vector<1x400x128xf32>
    %get3A_20 = vector.shape_cast %get3A_19 : vector<1x400x128xf32> to vector<400x128xf32>
    %get3A_21 = arith.constant 0 : index
    %get3A_22 = arith.constant 0 : index
    %get3A_23 = vector.load %arg5[%get3A_21, %get3A_22] : memref<400x128xf32, #tpu.memory_space<vmem>>, vector<400x128xf32>
    %add3A_24 = arith.addf %get3A_20, %get3A_23 : vector<400x128xf32>
    %mul3A = vector.broadcast %rsqrt3A : vector<400x1xf32> to vector<400x128xf32>
    %mul3A_25 = arith.mulf %mul3A, %add3A_24 : vector<400x128xf32>
    %get3A_26 = arith.constant 0 : index
    %get3A_27 = arith.constant 0 : index
    %get3A_28 = vector.load %arg7[%get3A_26, %get3A_27] : memref<1x256xf32, #tpu.memory_space<vmem>>, vector<1x128xf32>
    %add3A_29 = vector.broadcast %get3A_28 : vector<1x128xf32> to vector<400x128xf32>
    %add3A_30 = arith.addf %mul3A_25, %add3A_29 : vector<400x128xf32>
    %get3A_31 = arith.constant 0 : index
    %get3A_32 = arith.constant 0 : index
    %get3A_33 = arith.constant 0 : index
    %get3A_34 = vector.load %arg4[%get3A_31, %get3A_32, %get3A_33] : memref<1x400x128xf32, #tpu.memory_space<vmem>>, vector<1x400x128xf32>
    %get3A_35 = vector.shape_cast %get3A_34 : vector<1x400x128xf32> to vector<400x128xf32>
    %get3A_36 = arith.constant 0 : index
    %get3A_37 = arith.constant 0 : index
    %get3A_38 = vector.load %arg6[%get3A_36, %get3A_37] : memref<400x128xf32, #tpu.memory_space<vmem>>, vector<400x128xf32>
    %add3A_39 = arith.addf %get3A_35, %get3A_38 : vector<400x128xf32>
    %mul3A_40 = vector.broadcast %rsqrt3A : vector<400x1xf32> to vector<400x128xf32>
    %mul3A_41 = arith.mulf %mul3A_40, %add3A_39 : vector<400x128xf32>
    %get3A_42 = arith.constant 0 : index
    %get3A_43 = arith.constant 128 : index
    %get3A_44 = vector.load %arg7[%get3A_42, %get3A_43] : memref<1x256xf32, #tpu.memory_space<vmem>>, vector<1x128xf32>
    %add3A_45 = vector.broadcast %get3A_44 : vector<1x128xf32> to vector<400x128xf32>
    %add3A_46 = arith.addf %mul3A_41, %add3A_45 : vector<400x128xf32>
    %ge3A = arith.constant 0.000000e+00 : f32
    %ge3A_47 = vector.broadcast %ge3A : f32 to vector<400x128xf32>
    %ge3A_48 = arith.cmpf oge, %add3A_30, %ge3A_47 : vector<400x128xf32>
    %mul3A_49 = vector.broadcast %get3A_15 : f32 to vector<400x128xf32>
    %mul3A_50 = arith.mulf %mul3A_49, %add3A_30 : vector<400x128xf32>
    %select_n3A = arith.select %ge3A_48, %add3A_30, %mul3A_50 : vector<400x128xi1>, vector<400x128xf32>
    %swap3A = arith.constant 0 : index
    %swap3A_51 = arith.constant 0 : index
    %swap3A_52 = vector.load %arg9[%swap3A, %swap3A_51] : memref<400x256xf32, #tpu.memory_space<vmem>>, vector<400x128xf32>
    tpu.vector_store %arg9[%swap3A, %swap3A_51], %select_n3A {strides = array<i32>} : memref<400x256xf32, #tpu.memory_space<vmem>>, vector<400x128xf32>,
    %ge3A_53 = arith.constant 0.000000e+00 : f32
    %ge3A_54 = vector.broadcast %ge3A_53 : f32 to vector<400x128xf32>
    %ge3A_55 = arith.cmpf oge, %add3A_46, %ge3A_54 : vector<400x128xf32>
    %mul3A_56 = vector.broadcast %get3A_15 : f32 to vector<400x128xf32>
    %mul3A_57 = arith.mulf %mul3A_56, %add3A_46 : vector<400x128xf32>
    %select_n3A_58 = arith.select %ge3A_55, %add3A_46, %mul3A_57 : vector<400x128xi1>, vector<400x128xf32>
    %swap3A_59 = arith.constant 0 : index
    %swap3A_60 = arith.constant 128 : index
    %swap3A_61 = vector.load %arg9[%swap3A_59, %swap3A_60] : memref<400x256xf32, #tpu.memory_space<vmem>>, vector<400x128xf32>
    tpu.vector_store %arg9[%swap3A_59, %swap3A_60], %select_n3A_58 {strides = array<i32>} : memref<400x256xf32, #tpu.memory_space<vmem>>, vector<400x128xf32>,
    return
  }
  func.func @transform_0(%arg0: i32) -> (i32, i32, i32) {
    %c0_i32 = arith.constant 0 : i32
    %c0_i32_0 = arith.constant 0 : i32
    %c0_i32_1 = arith.constant 0 : i32
    return %c0_i32, %arg0, %c0_i32_0 : i32, i32, i32
  }
  func.func @transform_1(%arg0: i32) -> (i32, i32, i32) {
    %c1_i32 = arith.constant 1 : i32
    %c0_i32 = arith.constant 0 : i32
    %c0_i32_0 = arith.constant 0 : i32
    return %c1_i32, %arg0, %c0_i32 : i32, i32, i32
  }
  func.func @transform_2(%arg0: i32) -> (i32, i32, i32) {
    %c0_i32 = arith.constant 0 : i32
    %c0_i32_0 = arith.constant 0 : i32
    %c0_i32_1 = arith.constant 0 : i32
    return %c0_i32, %arg0, %c0_i32_0 : i32, i32, i32
  }
  func.func @transform_3(%arg0: i32) -> (i32, i32, i32) {
    %c1_i32 = arith.constant 1 : i32
    %c0_i32 = arith.constant 0 : i32
    %c0_i32_0 = arith.constant 0 : i32
    return %c1_i32, %arg0, %c0_i32 : i32, i32, i32
  }
  func.func @transform_4(%arg0: i32) -> (i32, i32) {
    %c0_i32 = arith.constant 0 : i32
    %c0_i32_0 = arith.constant 0 : i32
    return %arg0, %c0_i32 : i32, i32
  }
  func.func @transform_5(%arg0: i32) -> (i32, i32) {
    %c0_i32 = arith.constant 0 : i32
    %c0_i32_0 = arith.constant 0 : i32
    return %arg0, %c0_i32 : i32, i32
  }
  func.func @transform_6(%arg0: i32) -> (i32, i32) {
    %c0_i32 = arith.constant 0 : i32
    %c0_i32_0 = arith.constant 0 : i32
    %c0_i32_1 = arith.constant 0 : i32
    return %c0_i32, %c0_i32_0 : i32, i32
  }
  func.func @transform_7(%arg0: i32) -> (i32, i32) {
    %c0_i32 = arith.constant 0 : i32
    %c0_i32_0 = arith.constant 0 : i32
    %c0_i32_1 = arith.constant 0 : i32
    return %c0_i32, %c0_i32_0 : i32, i32
  }
  func.func @transform_8(%arg0: i32) -> (i32, i32) {
    %c0_i32 = arith.constant 0 : i32
    %c0_i32_0 = arith.constant 0 : i32
    return %arg0, %c0_i32 : i32, i32
  }
}

</mosaic_0001>

<sc_bundles>
// kernel: kernel.6.cloned.1.call-start
scs
__scs_entry_jumppad:
0x0: {  	(pc) =	sbr.rel $0x88, $3  }
0x1: {  	(tag) =	ssettag $0x0;
	lr =	simm.s32 $0x1  }
0x2: {  	[smem:$0x3F9C] =	sst lr;
	_ =	strace $0xD0000000  }
0x3: {  	_ = 	snop  }
0x4: {  	_ = 	snop  }
0x5: {  	_ = 	snop  }
0x6: {  	_ = 	snop  }
0x7: {  	_ = 	snop  }
__scs_overlays_trampoline_lowered:
0x8: {  	[smem:$0x3FAB] =	sst s0  }
0x9: {  	[smem:$0x3FAC] =	sst s1  }
0xa: {  	[smem:$0x3FAD] =	sst s2  }
0xb: {  	[smem:$0x3FAE] =	sst s3  }
0xc: {  	[smem:$0x3FAF] =	sst s4  }
0xd: {  	[smem:$0x3FB0] =	sst s5  }
0xe: {  	[smem:$0x3FB1] =	sst s6  }
0xf: {  	[smem:$0x3FB2] =	sst s7  }
0x10: {  	[smem:$0x3FB3] =	sst s8  }
0x11: {  	[smem:$0x3FB4] =	sst s9;
	s0 =	simm.s32 @!p0 $0x0  }
0x12: {  	s1 =	sld [smem:$0x3F9A];
	s0 =	simm.s32 @p0 $0x1  }
0x13: {  	[smem:$0x3FB5] =	sst s0;
	s0 =	simm.s32 @!p1 $0x0  }
0x14: {  	s2 =	sld [smem:$0x3F99];
	s0 =	simm.s32 @p1 $0x1  }
0x15: {  	[smem:$0x3FB6] =	sst s0;
	s0 =	simm.s32 @!p2 $0x0  }
0x16: {  	s3 =	sld [smem:$0x3FDB];
	s0 =	simm.s32 @p2 $0x1  }
0x17: {  	s4 =	simm.s32 $0x1BF5;
	[smem:$0x3FB8] =	sst s0  }
0x18: {  	s0 =	sld [smem:$0x3F9B];
	_ =	swait.ge [sflag:s4], $0x0  }
0x19: {  	s7 =	sld [smem:$0x3F9C]  }
0x1a: {  	s8 =	sadd.s32 $0xFFFFE003, lr  }
0x1b: {  	s9 =	sadd.s32 $0xFFFFFEF7, lr;
	s5 =	simm.s32 $0xFFFFFFFF;
	p2 =	slt.u32 s8, $0xFFFFF086  }
0x1c: {  	p1 =	slt.u32 s9, $0xF7A;
	s5 =	simm.s32 @!p2 $0x0  }
0x1d: {  	s5 =	simm.s32 @p1 $0x1;
	p0 =	seq.s32 s7, s2  }
0x1e: {  	s7 =	smul.u32 @!p0 $0xF7A, s2;
	p2 =	seq.s32 @!p0 s5, $0x0  }
0x1f: {  	s9 =	smul.u32 $0xF7A, s1;
	s8 =	simm.s32 @!p0 $0x1BF5;
	p2 =	por !p2, p0  }
0x20: {  	[sflag:s8] =	ssyncset.s32 @!p0 $0xFFFFF086;
	s6 =	sadd.s32 @!p0 s3, s7;
	s7 =	simm.s32 @!p0 $0x108  }
0x21: {  	s3 =	sadd.s32 s3, s9;
	s6 =	sadd.s32 @!p0 $0x88, s6;
	s7 =	simm.s32 @p2 $0x1082  }
0x22: {  	[simem:s7], [sflag:s8] =	dma.local @!p0 [hbm:s6], $0xF7A  }
0x23: {  	s9 =	sor.u32 $0xD0000000, s2;
	s6 =	simm.s32 $0x108;
	_ =	swait.ge @!p0 [sflag:s8], $0x0  }
0x24: {  	s3 =	sadd.s32 $0x88, s3;
	s6 =	simm.s32 @!p1 $0x1082;
	[sflag:s4] =	ssyncset.s32 $0xFFFFF086  }
0x25: {  	[simem:s6], [sflag:s4] =	dma.local [hbm:s3], $0xF7A  }
0x26: {  	[smem:$0x3F9C] =	sst s1;
	(tag) =	ssettag s2;
	_ =	strace s9  }
0x27: {  	s1 =	sld [smem:$0x3FAC]  }
0x28: {  	s2 =	sld [smem:$0x3FAD]  }
0x29: {  	s4 =	sld [smem:$0x3FAF]  }
0x2a: {  	p0 =	seq.s32 s5, $0x0;
	s5 =	sld [smem:$0x3FB0]  }
0x2b: {  	s6 =	sld [smem:$0x3FB1]  }
0x2c: {  	s7 =	sld [smem:$0x3FB2]  }
0x2d: {  	s3 =	simm.s32 $0x108;
	s8 =	sld [smem:$0x3FB3]  }
0x2e: {  	s3 =	simm.s32 @!p0 $0x1082;
	s9 =	sld [smem:$0x3FB4]  }
0x2f: {  	lr =	sadd.s32 s0, s3;
	s0 =	sld [smem:$0x3FAB]  }
0x30: {  	s3 =	sld [smem:$0x3FAE]  }
0x31: {  	[smem:$0x3FB7] =	sst s10  }
0x32: {  	s10 =	sld [smem:$0x3FB5];
	_ =	sdelay $0x3  }
0x33: {  	p0 =	seq.s32 s10, $0x1;
	s10 =	sld [smem:$0x3FB7];
	_ =	sdelay $0x3  }
0x34: {  	[smem:$0x3FB7] =	sst s10  }
0x35: {  	s10 =	sld [smem:$0x3FB6];
	_ =	sdelay $0x3  }
0x36: {  	p1 =	seq.s32 s10, $0x1;
	s10 =	sld [smem:$0x3FB7];
	_ =	sdelay $0x3  }
0x37: {  	[smem:$0x3FB7] =	sst s10  }
0x38: {  	s10 =	sld [smem:$0x3FB8]  }
0x39: {  	_ = 	snop;
	(pc) =	sbr.ind lr, $3  }
0x3a: {  	_ = 	snop  }
0x3b: {  	_ = 	snop  }
0x3c: {  	p2 =	seq.s32 s10, $0x1;
	s10 =	sld [smem:$0x3FB7]  }
0x3d: {  	_ =	shalt  }
0x3e: {  	_ =	shalt  }
0x3f: {  	_ =	shalt  }
0x40: {  	_ =	shalt  }
0x41: {  	_ =	shalt  }
0x42: {  	_ =	shalt  }
0x43: {  	_ =	shalt  }
0x44: {  	_ =	shalt  }
0x45: {  	_ =	shalt  }
0x46: {  	_ =	shalt  }
0x47: {  	_ =	shalt  }
0x48: {  	_ =	shalt  }
0x49: {  	_ =	shalt  }
0x4a: {  	_ =	shalt  }
0x4b: {  	_ =	shalt  }
0x4c: {  	_ =	shalt  }
0x4d: {  	_ =	shalt  }
0x4e: {  	_ =	shalt  }
0x4f: {  	_ =	shalt  }
0x50: {  	_ =	shalt  }
0x51: {  	_ =	shalt  }
0x52: {  	_ =	shalt  }
0x53: {  	_ =	shalt  }
0x54: {  	_ =	shalt  }
0x55: {  	_ =	shalt  }
0x56: {  	_ =	shalt  }
0x57: {  	_ =	shalt  }
0x58: {  	_ =	shalt  }
0x59: {  	_ =	shalt  }
0x5a: {  	_ =	shalt  }
0x5b: {  	_ =	shalt  }
0x5c: {  	_ =	shalt  }
0x5d: {  	_ =	shalt  }
0x5e: {  	_ =	shalt  }
0x5f: {  	_ =	shalt  }
0x60: {  	_ =	shalt  }
0x61: {  	_ =	shalt  }
0x62: {  	_ =	shalt  }
0x63: {  	_ =	shalt  }
0x64: {  	_ =	shalt  }
0x65: {  	_ =	shalt  }
0x66: {  	_ =	shalt  }
0x67: {  	_ =	shalt  }
0x68: {  	_ =	shalt  }
0x69: {  	_ =	shalt  }
0x6a: {  	_ =	shalt  }
0x6b: {  	_ =	shalt  }
0x6c: {  	_ =	shalt  }
0x6d: {  	_ =	shalt  }
0x6e: {  	_ =	shalt  }
0x6f: {  	_ =	shalt  }
0x70: {  	_ =	shalt  }
0x71: {  	_ =	shalt  }
0x72: {  	_ =	shalt  }
0x73: {  	_ =	shalt  }
0x74: {  	_ =	shalt  }
0x75: {  	_ =	shalt  }
0x76: {  	_ =	shalt  }
0x77: {  	_ =	shalt  }
0x78: {  	_ =	shalt  }
0x79: {  	_ =	shalt  }
0x7a: {  	_ =	shalt  }
0x7b: {  	_ =	shalt  }
0x7c: {  	_ =	shalt  }
0x7d: {  	_ =	shalt  }
0x7e: {  	_ =	shalt  }
0x7f: {  	_ =	shalt  }
0x80: {  	_ =	shalt  }
0x81: {  	_ =	shalt  }
0x82: {  	_ =	shalt  }
0x83: {  	_ =	shalt  }
0x84: {  	_ =	shalt  }
0x85: {  	_ =	shalt  }
0x86: {  	_ =	shalt  }
0x87: {  	_ =	shalt  }
.Lfunc_end0:
.L_simem_size_0:
called_computation_lowered:
.L_overlay_start_0:
0x88: {  	s2 =	sld [smem:$0x3FD9]  }
0x89: {  	s3 =	sld [smem:$0x3FFE];
	_ =	sdelay $0x1  }
0x8a: {  	s1 =	srdreg.scid  }
0x8b: {  	s0 =	sand.u32 $0x1, s1  }
0x8c: {  	s17 =	sshll.u32 s0, $0xA;
	s2 =	sadd.s32 s3, s2  }
0x8d: {  	s2 =	sadd.s32 s2, s17  }
0x8e: {  	[smem:$0x3FC3] =	sst s2  }
0x8f: {  	_ = 	snop  }
0x90: {  	s2 =	sld [smem:$0x3FD0];
	(tm) =	ssettm $0x1  }
0x91: {  	s18 =	sld [smem:$0x3FFB];
	_ =	sdelay $0x3  }
0x92: {  	_ =	strace s18  }
0x93: {  	s3 =	sld [smem:$0x3FFC];
	_ =	sdelay $0x3  }
0x94: {  	_ =	strace s3  }
0x95: {  	s3 =	sld [smem:$0x3FFD];
	_ =	sdelay $0x3  }
0x96: {  	_ =	strace s3  }
0x97: {  	_ =	strace $0x8FFFFFFF  }
0x98: {  	s19 =	sld [smem:$0x3FDB];
	_ =	sdelay $0x1  }
0x99: {  	s4 =	simm.s32 $_scs_section_size  }
0x9a: {  	s5 =	simm.s32 $_size__tile_overlayer_lowered;
	s6 =	simm.s32 $_tile_overlayer_lowered  }
0x9b: {  	s22 =	simm.s32 $0x1BFF;
	s21 =	sshll.u32 s6, $0x1;
	s3 =	sadd.s32 s4, s19  }
0x9c: {  	s7 =	simm.s32 $0x0;
	s20 =	sshll.u32 s5, $0x1;
	s5 =	sadd.s32 s21, s3  }
0x9d: {  	[timem:s7], [sflag:s22] =	dma.local [hbm:s5], s20  }
0x9e: {  	_ =	swait.ge [sflag:s22], s20  }
0x9f: {  	s4 =	ssub.s32 $0x0, s20;
	[sflag:s22] =	ssyncset.done $0x0  }
0xa0: {  	[sflag:s22] =	ssyncadd.s32 s4;
	_ =	sdelay $0x1  }
0xa1: {  	s23 =	simm.s32 $0x1B8B  }
0xa2: {  	_ =	swait.ge [sflag:s23], $0x1  }
0xa3: {  	[sflag:s23] =	ssyncset.done $0x0  }
0xa4: {  	s25 =	simm.s32 $0x1B8E;
	s24 =	sld [smem:$0x3FFE];
	[sflag:s23] =	ssyncadd.s32 $0xFFFFFFFF  }
0xa5: {  	s26 =	simm.s32 $execute0_lowered;
	[smem:$0x3FD2] =	sst s25  }
0xa6: {  	s5 =	sshll.u32 s26, $0x1;
	_ =	strace $0x80000046;
	[dreg:$0x1] =	wrdreg $0xFFFFFFFF  }
0xa7: {  	s28 =	simm.s32 $_size_execute0_lowered;
	s3 =	sadd.s32 s3, s5;
	[dreg:$0x0] =	wrdreg $0x0  }
0xa8: {  	s5 =	sshll.u32 s28, $0x1;
	[dreg:$0x2] =	wrdreg s3  }
0xa9: {  	[dreg:$0x3] =	wrdreg s5  }
0xaa: {  	[dreg:$0x4] =	wrdreg $0xC0  }
0xab: {  	_ =	task [dreg:s7], $0x5FFFF  }
0xac: {  	[dreg:$0x1] =	wrdreg $0xFFFFFFFF  }
0xad: {  	[dreg:$0x0] =	wrdreg $0x60  }
0xae: {  	[dreg:$0x2] =	wrdreg s24  }
0xaf: {  	[dreg:$0x3] =	wrdreg s2  }
0xb0: {  	[dreg:$0x4] =	wrdreg $0x54000  }
0xb1: {  	[dreg:$0x5] =	wrdreg $0x9  }
0xb2: {  	_ =	task.clear_ibuf [dreg:s7], $0x6FFFF;
	_ =	strace $0x90000046  }
0xb3: {  	s29 =	simm.s32 $0x9;
	_ =	strace $0x80000048  }
0xb4: {  	_ =	swait.ge [sflag:s29], $0x1  }
0xb5: {  	[sflag:s29] =	ssyncadd.s32 $0xFFFFFFFF  }
0xb6: {  	_ =	strace $0x90000048  }
0xb7: {  	_ =	sfence  }
0xb8: {  	s30 =	sld [smem:$0x0];
	_ =	sdelay $0x2  }
0xb9: {  	s31 =	sshll.u32 s1, $0xD;
	s1 =	sshrl.u32 s1, $0x2  }
0xba: {  	s3 =	sand.u32 $0x4000, s31;
	s1 =	sadd.s32 s1, s30  }
0xbb: {  	s0 =	sor.u32 s3, s0;
	s1 =	sshll.u32 s1, $0x11  }
0xbc: {  	s0 =	sor.u32 s1, s0  }
0xbd: {  	s0 =	sadd.s32 $0x8F2B, s0  }
0xbe: {  	[sflag:s0] =	ssyncadd.remote.s32 $0x1  }
0xbf: {  	_ =	sfence.sel $0xFFFF  }
0xc0: {  	[dreg:$0x0] =	wrdreg $0xFFFFFFFF;
	(pc) =	sbr.abs _section_cstart, $3  }
0xc1: {  	[dreg:$0x1] =	wrdreg $0xFFFFFFFF  }
0xc2: {  	_ =	task.clear_ibuf [dreg:s7], $0x2FFFF;
	_ =	strace $0x9FFFFFFF  }
0xc3: {  	(tm) =	ssettm $0x7FFFFFFF  }
tec
execute0_lowered:
.L_overlay_start_1:
0x0: {  	(tag) =	ssettag $0x1  }
0x1: {  	s6 =	rddreg [dreg:$0x0]  }
0x2: {  	s1 =	srdreg.scid;
	s2 =	rddreg [dreg:$0x1]  }
0x3: {  	s0 =	stileid.u32;
	s3 =	rddreg [dreg:$0x2]  }
0x4: {  	s4 =	simm.s32 $0x0;
	s13 =	simm.s32 $0x80;
	s14 =	simm.s32 $0x0  }
0x5: {  	s7 =	sand.u32 $0x1, s1;
	s26 =	sshll.u32 s0, $0x1;
	s8 =	smul.u32 $0x2800, s0  }
0x6: {  	[smem:$0x7FF] =	sst s4;
	s11 =	smul.u32 $0x50000, s0;
	s31 =	sshll.u32 s0, $0x6  }
0x7: {  	s1 =	sor.u32 s7, s26;
	s9 =	smul.u32 $0x28000, s7;
	s7 =	ssub.s32 $0x2, s7  }
0x8: {  	s5 =	smul.u32 $0x280, s1;
	s1 =	rddreg [dreg:$0x3];
	_ =	strace $0x80000047  }
0x9: {  	s28 =	sshrl.u32 s7, $0x1;
	s29 =	sshrl.u32 s11, $0x2;
	s11 =	simm.s32 $0x1  }
0xa: {  	s8 =	sadd.s32 s8, s9;
	s30 =	ssub.s32 s7, s28;
	s12 =	sadd.s32 s29, s3  }
0xb: {  	s10 =	sadd.s32 s5, s6;
	s5 =	sadd.s32 $0xC800, s6;
	s8 =	sadd.s32 s8, s6  }
0xc: {  	s6 =	sor.u32 $0x1C01, s31;
	s9 =	smax.u32 s30, $0x1;
	s7 =	sadd.s32 $0x2800, s10  }
0xd: {  	s8 =	sadd.s32 $0xF000, s8;
	s10 =	sshrl.u32 s12, $0x3;
	s12 =	simm.s32 $0x1400  }
.LBB2_1:
0xe: {  	[spmem:s10], [sflag:s6] =	dma.local [hbm:s5], $0x2800  }
0xf: {  	_ =	swait.ge [sflag:s11], $0x2800  }
0x10: {  	[sflag:s11] =	ssyncset.done $0x0  }
0x11: {  	[sflag:s11] =	ssyncadd.s32 $0xFFFFD800  }
0x12: {  	[tilespmem:s12], [sflag:$0x1] =	stream.linear.gather [hbm4b:s2+s4], $0x4000, $0x38;
	[tilespmem:$0x19400] =	vst v63  }
0x13: {  	_ =	swait.ge [sflag:s11], $0x4000  }
0x14: {  	[sflag:s11] =	ssyncset.done $0x0  }
0x15: {  	[sflag:s11] =	ssyncadd.s32 $0xFFFFC000  }
0x16: {  	[tilespmem:s4], [sflag:$0x1] =	stream.linear.gather [hbm4b:s7+s4], $0x1400, $0x38;
	[tilespmem:$0x19400] =	vst v63  }
0x17: {  	_ =	swait.ge [sflag:s11], $0x1400  }
0x18: {  	[sflag:s11] =	ssyncset.done $0x0  }
0x19: {  	[sflag:s11] =	ssyncadd.s32 $0xFFFFEC00  }
0x1a: {  	s15 =	simm.s32 $0x0;
	[bflag:$0x0] =	sbarrier.arrive $0xFFFF  }
0x1b: {  	[spmem:s3] =	stream.indirect.scatter.add.f32 [tilespmem:s12], [sflag:$0x1], $0x80, s15, s13, $0xb8;
	[tilespmem:$0x19400] =	vst v63  }
0x1c: {  	_ =	swait.ge [sflag:s11], $0x4000  }
0x1d: {  	s15 =	simm.s32 $0x200;
	[sflag:s11] =	ssyncset.done $0x0  }
.LBB2_2:
0x1e: {  	s16 =	sshra.s32 s15, $0x2;
	[sflag:s11] =	ssyncadd.s32 $0xFFFFC000;
	p0 =	sne.s32 s15, $0x4E00  }
0x1f: {  	[spmem:s3] =	stream.indirect.scatter.add.f32 [tilespmem:s12], [sflag:$0x1], $0x80, s16, s13, $0xb8;
	[tilespmem:$0x19400] =	vst v63  }
.Ltmp0:
0x20: {  	_ = 	snop;
	(pc) =	sbr.rel @p0 .LBB2_2-.Ltmp0, $4  }
0x21: {  	_ = 	snop  }
0x22: {  	s15 =	sadd.s32 $0x200, s15  }
0x23: {  	_ =	swait.ge [sflag:s11], $0x4000  }
0x24: {  	[sflag:s11] =	ssyncset.done $0x0  }
0x25: {  	s14 =	sadd.s32 $0x1, s14  }
0x26: {  	[sflag:s11] =	ssyncadd.s32 $0xFFFFC000;
	p0 =	sne.s32 s14, s9  }
.Ltmp1:
0x27: {  	[bflag:$0x0] =	sbarrier.arrive $0xFFFF;
	(pc) =	sbr.rel @p0 .LBB2_1-.Ltmp1, $4  }
0x28: {  	[hbm:s8], [sflag:s6] =	dma.local [spmem:s10], $0x2800  }
0x29: {  	_ =	swait.ge [sflag:s11], $0x2800  }
0x2a: {  	[sflag:s11] =	ssyncset.done $0x0  }
0x2b: {  	[sflag:s11] =	ssyncadd.s32 $0xFFFFD800  }
0x2c: {  	_ =	sfence.sel $0x180000  }
0x2d: {  	[bflag:$0x0] =	sbarrier.arrive $0xFFFF  }
0x2e: {  	p0 =	sne.s32 s0, $0x0;
	_ =	strace $0x90000047  }
0x2f: {  	s0 =	sadd.s32 @!p0 $0x100000, s1;
	[bflag:$0x2] =	sbarrier.arrive $0xFFFF  }
0x30: {  	[sflag:s0] =	ssyncadd.tile.s32 @!p0 $0x1;
	_ =	shalt  }
.Lfunc_end2:
_tile_overlayer_lowered:
.L_overlay_start_2:
0x31: {  	(tag) =	ssettag $0x2  }
0x32: {  	s0 =	rddreg [dreg:$0x0];
	s2 =	stileid.u32  }
0x33: {  	s1 =	rddreg [dreg:$0x1];
	p0 =	sne.s32 s2, $0x0  }
0x34: {  	s3 =	rddreg [dreg:$0x2];
	[bflag:$0x3] =	sbarrier.arrive $0xFFFF;
	s2 =	simm.s32 @!p0 $0x1C01  }
0x35: {  	[timem:s3], [sflag:s2] =	dma.local @!p0 [hbm:s0], s1  }
0x36: {  	s0 =	simm.s32 @!p0 $0x1  }
0x37: {  	_ =	swait.ge @!p0 [sflag:s0], s1  }
0x38: {  	s1 =	ssub.s32 @!p0 $0x0, s1;
	[sflag:s0] =	ssyncset.done @!p0 $0x0  }
0x39: {  	[sflag:s0] =	ssyncadd.s32 @!p0 s1  }
0x3a: {  	[bflag:$0x3] =	sbarrier.arrive $0xFFFF  }
0x3b: {  	_ =	shalt  }

// kernel: kernel.9.cloned.1.call-start
scs
__scs_entry_jumppad:
0x0: {  	(pc) =	sbr.rel $0x88, $3  }
0x1: {  	(tag) =	ssettag $0x0;
	lr =	simm.s32 $0x1  }
0x2: {  	[smem:$0x3F9C] =	sst lr;
	_ =	strace $0xD0000000  }
0x3: {  	_ = 	snop  }
0x4: {  	_ = 	snop  }
0x5: {  	_ = 	snop  }
0x6: {  	_ = 	snop  }
0x7: {  	_ = 	snop  }
__scs_overlays_trampoline_lowered:
0x8: {  	[smem:$0x3FAB] =	sst s0  }
0x9: {  	[smem:$0x3FAC] =	sst s1  }
0xa: {  	[smem:$0x3FAD] =	sst s2  }
0xb: {  	[smem:$0x3FAE] =	sst s3  }
0xc: {  	[smem:$0x3FAF] =	sst s4  }
0xd: {  	[smem:$0x3FB0] =	sst s5  }
0xe: {  	[smem:$0x3FB1] =	sst s6  }
0xf: {  	[smem:$0x3FB2] =	sst s7  }
0x10: {  	[smem:$0x3FB3] =	sst s8  }
0x11: {  	[smem:$0x3FB4] =	sst s9;
	s0 =	simm.s32 @!p0 $0x0  }
0x12: {  	s1 =	sld [smem:$0x3F9A];
	s0 =	simm.s32 @p0 $0x1  }
0x13: {  	[smem:$0x3FB5] =	sst s0;
	s0 =	simm.s32 @!p1 $0x0  }
0x14: {  	s2 =	sld [smem:$0x3F99];
	s0 =	simm.s32 @p1 $0x1  }
0x15: {  	[smem:$0x3FB6] =	sst s0;
	s0 =	simm.s32 @!p2 $0x0  }
0x16: {  	s3 =	sld [smem:$0x3FDB];
	s0 =	simm.s32 @p2 $0x1  }
0x17: {  	s4 =	simm.s32 $0x1BF5;
	[smem:$0x3FB8] =	sst s0  }
0x18: {  	s0 =	sld [smem:$0x3F9B];
	_ =	swait.ge [sflag:s4], $0x0  }
0x19: {  	s7 =	sld [smem:$0x3F9C]  }
0x1a: {  	s8 =	sadd.s32 $0xFFFFE003, lr  }
0x1b: {  	s9 =	sadd.s32 $0xFFFFFEF7, lr;
	s5 =	simm.s32 $0xFFFFFFFF;
	p2 =	slt.u32 s8, $0xFFFFF086  }
0x1c: {  	p1 =	slt.u32 s9, $0xF7A;
	s5 =	simm.s32 @!p2 $0x0  }
0x1d: {  	s5 =	simm.s32 @p1 $0x1;
	p0 =	seq.s32 s7, s2  }
0x1e: {  	s7 =	smul.u32 @!p0 $0xF7A, s2;
	p2 =	seq.s32 @!p0 s5, $0x0  }
0x1f: {  	s9 =	smul.u32 $0xF7A, s1;
	s8 =	simm.s32 @!p0 $0x1BF5;
	p2 =	por !p2, p0  }
0x20: {  	[sflag:s8] =	ssyncset.s32 @!p0 $0xFFFFF086;
	s6 =	sadd.s32 @!p0 s3, s7;
	s7 =	simm.s32 @!p0 $0x108  }
0x21: {  	s3 =	sadd.s32 s3, s9;
	s6 =	sadd.s32 @!p0 $0x88, s6;
	s7 =	simm.s32 @p2 $0x1082  }
0x22: {  	[simem:s7], [sflag:s8] =	dma.local @!p0 [hbm:s6], $0xF7A  }
0x23: {  	s9 =	sor.u32 $0xD0000000, s2;
	s6 =	simm.s32 $0x108;
	_ =	swait.ge @!p0 [sflag:s8], $0x0  }
0x24: {  	s3 =	sadd.s32 $0x88, s3;
	s6 =	simm.s32 @!p1 $0x1082;
	[sflag:s4] =	ssyncset.s32 $0xFFFFF086  }
0x25: {  	[simem:s6], [sflag:s4] =	dma.local [hbm:s3], $0xF7A  }
0x26: {  	[smem:$0x3F9C] =	sst s1;
	(tag) =	ssettag s2;
	_ =	strace s9  }
0x27: {  	s1 =	sld [smem:$0x3FAC]  }
0x28: {  	s2 =	sld [smem:$0x3FAD]  }
0x29: {  	s4 =	sld [smem:$0x3FAF]  }
0x2a: {  	p0 =	seq.s32 s5, $0x0;
	s5 =	sld [smem:$0x3FB0]  }
0x2b: {  	s6 =	sld [smem:$0x3FB1]  }
0x2c: {  	s7 =	sld [smem:$0x3FB2]  }
0x2d: {  	s3 =	simm.s32 $0x108;
	s8 =	sld [smem:$0x3FB3]  }
0x2e: {  	s3 =	simm.s32 @!p0 $0x1082;
	s9 =	sld [smem:$0x3FB4]  }
0x2f: {  	lr =	sadd.s32 s0, s3;
	s0 =	sld [smem:$0x3FAB]  }
0x30: {  	s3 =	sld [smem:$0x3FAE]  }
0x31: {  	[smem:$0x3FB7] =	sst s10  }
0x32: {  	s10 =	sld [smem:$0x3FB5];
	_ =	sdelay $0x3  }
0x33: {  	p0 =	seq.s32 s10, $0x1;
	s10 =	sld [smem:$0x3FB7];
	_ =	sdelay $0x3  }
0x34: {  	[smem:$0x3FB7] =	sst s10  }
0x35: {  	s10 =	sld [smem:$0x3FB6];
	_ =	sdelay $0x3  }
0x36: {  	p1 =	seq.s32 s10, $0x1;
	s10 =	sld [smem:$0x3FB7];
	_ =	sdelay $0x3  }
0x37: {  	[smem:$0x3FB7] =	sst s10  }
0x38: {  	s10 =	sld [smem:$0x3FB8]  }
0x39: {  	_ = 	snop;
	(pc) =	sbr.ind lr, $3  }
0x3a: {  	_ = 	snop  }
0x3b: {  	_ = 	snop  }
0x3c: {  	p2 =	seq.s32 s10, $0x1;
	s10 =	sld [smem:$0x3FB7]  }
0x3d: {  	_ =	shalt  }
0x3e: {  	_ =	shalt  }
0x3f: {  	_ =	shalt  }
0x40: {  	_ =	shalt  }
0x41: {  	_ =	shalt  }
0x42: {  	_ =	shalt  }
0x43: {  	_ =	shalt  }
0x44: {  	_ =	shalt  }
0x45: {  	_ =	shalt  }
0x46: {  	_ =	shalt  }
0x47: {  	_ =	shalt  }
0x48: {  	_ =	shalt  }
0x49: {  	_ =	shalt  }
0x4a: {  	_ =	shalt  }
0x4b: {  	_ =	shalt  }
0x4c: {  	_ =	shalt  }
0x4d: {  	_ =	shalt  }
0x4e: {  	_ =	shalt  }
0x4f: {  	_ =	shalt  }
0x50: {  	_ =	shalt  }
0x51: {  	_ =	shalt  }
0x52: {  	_ =	shalt  }
0x53: {  	_ =	shalt  }
0x54: {  	_ =	shalt  }
0x55: {  	_ =	shalt  }
0x56: {  	_ =	shalt  }
0x57: {  	_ =	shalt  }
0x58: {  	_ =	shalt  }
0x59: {  	_ =	shalt  }
0x5a: {  	_ =	shalt  }
0x5b: {  	_ =	shalt  }
0x5c: {  	_ =	shalt  }
0x5d: {  	_ =	shalt  }
0x5e: {  	_ =	shalt  }
0x5f: {  	_ =	shalt  }
0x60: {  	_ =	shalt  }
0x61: {  	_ =	shalt  }
0x62: {  	_ =	shalt  }
0x63: {  	_ =	shalt  }
0x64: {  	_ =	shalt  }
0x65: {  	_ =	shalt  }
0x66: {  	_ =	shalt  }
0x67: {  	_ =	shalt  }
0x68: {  	_ =	shalt  }
0x69: {  	_ =	shalt  }
0x6a: {  	_ =	shalt  }
0x6b: {  	_ =	shalt  }
0x6c: {  	_ =	shalt  }
0x6d: {  	_ =	shalt  }
0x6e: {  	_ =	shalt  }
0x6f: {  	_ =	shalt  }
0x70: {  	_ =	shalt  }
0x71: {  	_ =	shalt  }
0x72: {  	_ =	shalt  }
0x73: {  	_ =	shalt  }
0x74: {  	_ =	shalt  }
0x75: {  	_ =	shalt  }
0x76: {  	_ =	shalt  }
0x77: {  	_ =	shalt  }
0x78: {  	_ =	shalt  }
0x79: {  	_ =	shalt  }
0x7a: {  	_ =	shalt  }
0x7b: {  	_ =	shalt  }
0x7c: {  	_ =	shalt  }
0x7d: {  	_ =	shalt  }
0x7e: {  	_ =	shalt  }
0x7f: {  	_ =	shalt  }
0x80: {  	_ =	shalt  }
0x81: {  	_ =	shalt  }
0x82: {  	_ =	shalt  }
0x83: {  	_ =	shalt  }
0x84: {  	_ =	shalt  }
0x85: {  	_ =	shalt  }
0x86: {  	_ =	shalt  }
0x87: {  	_ =	shalt  }
.Lfunc_end0:
.L_simem_size_0:
called_computation.1_lowered:
.L_overlay_start_0:
0x88: {  	s2 =	sld [smem:$0x3FD9]  }
0x89: {  	s3 =	sld [smem:$0x3FFE];
	_ =	sdelay $0x1  }
0x8a: {  	s1 =	srdreg.scid  }
0x8b: {  	s0 =	sand.u32 $0x1, s1  }
0x8c: {  	s17 =	sshll.u32 s0, $0xA;
	s2 =	sadd.s32 s3, s2  }
0x8d: {  	s2 =	sadd.s32 s2, s17  }
0x8e: {  	[smem:$0x3FC3] =	sst s2  }
0x8f: {  	_ = 	snop  }
0x90: {  	s2 =	sld [smem:$0x3FD0];
	(tm) =	ssettm $0x1  }
0x91: {  	s18 =	sld [smem:$0x3FFB];
	_ =	sdelay $0x3  }
0x92: {  	_ =	strace s18  }
0x93: {  	s3 =	sld [smem:$0x3FFC];
	_ =	sdelay $0x3  }
0x94: {  	_ =	strace s3  }
0x95: {  	s3 =	sld [smem:$0x3FFD];
	_ =	sdelay $0x3  }
0x96: {  	_ =	strace s3  }
0x97: {  	_ =	strace $0x8FFFFFFF  }
0x98: {  	s19 =	sld [smem:$0x3FDB];
	_ =	sdelay $0x1  }
0x99: {  	s4 =	simm.s32 $_scs_section_size  }
0x9a: {  	s5 =	simm.s32 $_size__tile_overlayer_lowered;
	s6 =	simm.s32 $_tile_overlayer_lowered  }
0x9b: {  	s22 =	simm.s32 $0x1BFF;
	s21 =	sshll.u32 s6, $0x1;
	s3 =	sadd.s32 s4, s19  }
0x9c: {  	s7 =	simm.s32 $0x0;
	s20 =	sshll.u32 s5, $0x1;
	s5 =	sadd.s32 s21, s3  }
0x9d: {  	[timem:s7], [sflag:s22] =	dma.local [hbm:s5], s20  }
0x9e: {  	_ =	swait.ge [sflag:s22], s20  }
0x9f: {  	s4 =	ssub.s32 $0x0, s20;
	[sflag:s22] =	ssyncset.done $0x0  }
0xa0: {  	[sflag:s22] =	ssyncadd.s32 s4;
	_ =	sdelay $0x1  }
0xa1: {  	s23 =	simm.s32 $0x1B8B  }
0xa2: {  	_ =	swait.ge [sflag:s23], $0x1  }
0xa3: {  	[sflag:s23] =	ssyncset.done $0x0  }
0xa4: {  	s25 =	simm.s32 $0x1B8E;
	s24 =	sld [smem:$0x3FFE];
	[sflag:s23] =	ssyncadd.s32 $0xFFFFFFFF  }
0xa5: {  	s26 =	simm.s32 $execute0_lowered;
	[smem:$0x3FD2] =	sst s25  }
0xa6: {  	s5 =	sshll.u32 s26, $0x1;
	_ =	strace $0x80000049;
	[dreg:$0x1] =	wrdreg $0xFFFFFFFF  }
0xa7: {  	s28 =	simm.s32 $_size_execute0_lowered;
	s3 =	sadd.s32 s3, s5;
	[dreg:$0x0] =	wrdreg $0x0  }
0xa8: {  	s5 =	sshll.u32 s28, $0x1;
	[dreg:$0x2] =	wrdreg s3  }
0xa9: {  	[dreg:$0x3] =	wrdreg s5  }
0xaa: {  	[dreg:$0x4] =	wrdreg $0xC0  }
0xab: {  	_ =	task [dreg:s7], $0x5FFFF  }
0xac: {  	[dreg:$0x1] =	wrdreg $0xFFFFFFFF  }
0xad: {  	[dreg:$0x0] =	wrdreg $0x60  }
0xae: {  	[dreg:$0x2] =	wrdreg s2  }
0xaf: {  	[dreg:$0x3] =	wrdreg s24  }
0xb0: {  	[dreg:$0x4] =	wrdreg $0xA8000  }
0xb1: {  	[dreg:$0x5] =	wrdreg $0x9  }
0xb2: {  	_ =	task.clear_ibuf [dreg:s7], $0x6FFFF;
	_ =	strace $0x90000049  }
0xb3: {  	s29 =	simm.s32 $0x9;
	_ =	strace $0x8000004B  }
0xb4: {  	_ =	swait.ge [sflag:s29], $0x1  }
0xb5: {  	[sflag:s29] =	ssyncadd.s32 $0xFFFFFFFF  }
0xb6: {  	_ =	strace $0x9000004B  }
0xb7: {  	_ =	sfence  }
0xb8: {  	s30 =	sld [smem:$0x0];
	_ =	sdelay $0x2  }
0xb9: {  	s31 =	sshll.u32 s1, $0xD;
	s1 =	sshrl.u32 s1, $0x2  }
0xba: {  	s3 =	sand.u32 $0x4000, s31;
	s1 =	sadd.s32 s1, s30  }
0xbb: {  	s0 =	sor.u32 s3, s0;
	s1 =	sshll.u32 s1, $0x11  }
0xbc: {  	s0 =	sor.u32 s1, s0  }
0xbd: {  	s0 =	sadd.s32 $0x8F2B, s0  }
0xbe: {  	[sflag:s0] =	ssyncadd.remote.s32 $0x1  }
0xbf: {  	_ =	sfence.sel $0xFFFF  }
0xc0: {  	[dreg:$0x0] =	wrdreg $0xFFFFFFFF;
	(pc) =	sbr.abs _section_cstart, $3  }
0xc1: {  	[dreg:$0x1] =	wrdreg $0xFFFFFFFF  }
0xc2: {  	_ =	task.clear_ibuf [dreg:s7], $0x2FFFF;
	_ =	strace $0x9FFFFFFF  }
0xc3: {  	(tm) =	ssettm $0x7FFFFFFF  }
tec
execute0_lowered:
.L_overlay_start_1:
0x0: {  	(tag) =	ssettag $0x1  }
0x1: {  	s1 =	rddreg [dreg:$0x0]  }
0x2: {  	s7 =	rddreg [dreg:$0x1]  }
0x3: {  	s2 =	rddreg [dreg:$0x2]  }
0x4: {  	s0 =	rddreg [dreg:$0x3];
	s4 =	simm.s32 $0x0;
	s5 =	srdreg.scid  }
0x5: {  	s3 =	stileid.u32;
	s17 =	simm.s32 $0x80;
	s18 =	simm.s32 $0x2800  }
0x6: {  	s19 =	simm.s32 $0x6800;
	s20 =	simm.s32 $0x1;
	s21 =	simm.s32 $0x2  }
0x7: {  	s22 =	simm.s32 $0x2700;
	s23 =	simm.s32 $0x2780;
	s24 =	simm.s32 $0x0  }
0x8: {  	[smem:$0x7FF] =	sst s4;
	s8 =	sand.u32 $0x1, s5;
	s9 =	smul.u32 $0x2800, s3  }
0x9: {  	s5 =	sadd.s32 $0x5F000, s7;
	s10 =	sadd.s32 $0x7800, s7;
	s12 =	sadd.s32 $0x2800, s7  }
0xa: {  	s14 =	smul.u32 $0x50000, s3;
	s6 =	sadd.s32 $0xC800, s7;
	s28 =	sshll.u32 s3, $0x6  }
0xb: {  	s29 =	smul.u32 $0x500, s3;
	_ =	strace $0x8000004A;
	s13 =	ssub.s32 $0x2, s8  }
0xc: {  	s11 =	smul.u32 $0x28000, s8;
	p0 =	seq.s32 s8, $0x1;
	s15 =	sshrl.u32 s13, $0x1  }
0xd: {  	s26 =	sshrl.u32 s14, $0x2;
	s30 =	sshrl.u32 s9, $0x3;
	s8 =	sadd.s32 s10, s29  }
.Ltmp0:
0xe: {  	s11 =	sadd.s32 s9, s11;
	s13 =	ssub.s32 s13, s15;
	(pc) =	sbr.rel .LBB2_1-.Ltmp0, $4  }
0xf: {  	s14 =	sadd.s32 s26, s2;
	s9 =	sadd.s32 s12, s29;
	s31 =	sadd.s32 $0x280, s30  }
0x10: {  	s15 =	simm.s32 $0x3;
	s16 =	sadd.s32 s11, s7;
	s7 =	sor.u32 $0x1C03, s28  }
0x11: {  	s10 =	sadd.s32 s10, s31;
	s11 =	sadd.s32 s12, s31;
	s13 =	smax.u32 s13, $0x1  }
0x12: {  	s14 =	sshrl.u32 s14, $0x3;
	s12 =	sadd.s32 $0x86200, s16;
	s16 =	simm.s32 $0x1400  }
.LBB2_11:
0x13: {  	[tilespmem:s19], [sflag:$0x2] =	stream.indirect.gather [hbm4b:s5+s17], $0x80, s26, s17, $0xb8;
	[tilespmem:$0x1E800] =	vst v63  }
.LBB2_12:
0x14: {  	_ =	swait.ge [sflag:s20], $0x4000  }
0x15: {  	[sflag:s20] =	ssyncset.done $0x0  }
0x16: {  	[sflag:s20] =	ssyncadd.s32 $0xFFFFC000  }
0x17: {  	[spmem:s2] =	stream.indirect.scatter.add.f32 [tilespmem:s18], [sflag:$0x3], $0x80, s22, s17, $0xb8;
	[tilespmem:$0x1E800] =	vst v63  }
0x18: {  	_ =	swait.ge [sflag:s15], $0x4000  }
0x19: {  	[sflag:s15] =	ssyncset.done $0x0  }
0x1a: {  	[sflag:s15] =	ssyncadd.s32 $0xFFFFC000  }
0x1b: {  	_ =	swait.ge [sflag:s21], $0x4000  }
0x1c: {  	[sflag:s21] =	ssyncset.done $0x0  }
0x1d: {  	[sflag:s21] =	ssyncadd.s32 $0xFFFFC000  }
0x1e: {  	[spmem:s2] =	stream.indirect.scatter.add.f32 [tilespmem:s19], [sflag:$0x3], $0x80, s23, s17, $0xb8;
	[tilespmem:$0x1E800] =	vst v63  }
0x1f: {  	_ =	swait.ge [sflag:s15], $0x4000  }
0x20: {  	s24 =	sadd.s32 $0x1, s24;
	[sflag:s15] =	ssyncset.done $0x0  }
0x21: {  	p1 =	sne.s32 s24, s13;
	[sflag:s15] =	ssyncadd.s32 $0xFFFFC000  }
.Ltmp1:
0x22: {  	[bflag:$0x0] =	sbarrier.arrive $0xFFFF;
	(pc) =	sbr.rel @!p1 .LBB2_13-.Ltmp1, $4  }
0x23: {  	[hbm:s12], [sflag:s7] =	dma.local [spmem:s14], $0x2800  }
0x24: {  	_ =	swait.ge [sflag:s15], $0x2800  }
0x25: {  	[sflag:s15] =	ssyncset.done $0x0  }
0x26: {  	[sflag:s15] =	ssyncadd.s32 $0xFFFFD800  }
.LBB2_1:
0x27: {  	[spmem:s14], [sflag:s7] =	dma.local [hbm:s6], $0x2800  }
0x28: {  	_ =	swait.ge [sflag:s15], $0x2800  }
0x29: {  	[sflag:s15] =	ssyncset.done $0x0  }
0x2a: {  	[sflag:s15] =	ssyncadd.s32 $0xFFFFD800  }
0x2b: {  	[bflag:$0x0] =	sbarrier.arrive $0xFFFF  }
0x2c: {  	[tilespmem:s4], [sflag:$0x3] =	stream.linear.gather [hbm4b:s8+s4], $0x1400, $0x38;
	[tilespmem:$0x1E800] =	vst v63  }
0x2d: {  	_ =	swait.ge [sflag:s15], $0x1400  }
0x2e: {  	[sflag:s15] =	ssyncset.done $0x0  }
.Ltmp2:
0x2f: {  	[sflag:s15] =	ssyncadd.s32 $0xFFFFEC00;
	(pc) =	sbr.rel @!p0 .LBB2_2-.Ltmp2, $4  }
0x30: {  	[tilespmem:s16], [sflag:$0x3] =	stream.linear.gather [hbm4b:s9+s4], $0x1400, $0x38;
	[tilespmem:$0x1E800] =	vst v63  }
0x31: {  	_ =	swait.ge [sflag:s15], $0x1400  }
0x32: {  	[sflag:s15] =	ssyncset.done $0x0  }
0x33: {  	s25 =	simm.s32 $0x0;
	[sflag:s15] =	ssyncadd.s32 $0xFFFFEC00  }
0x34: {  	[tilespmem:s18], [sflag:$0x1] =	stream.indirect.gather [hbm4b:s5+s17], $0x80, s25, s17, $0xb8;
	[tilespmem:$0x1E800] =	vst v63  }
0x35: {  	_ = 	snop  }
0x36: {  	[tilespmem:s19], [sflag:$0x2] =	stream.indirect.gather [hbm4b:s5+s17], $0x80, s17, s17, $0xb8;
	[tilespmem:$0x1E800] =	vst v63  }
0x37: {  	_ =	swait.ge [sflag:s20], $0x4000  }
0x38: {  	[sflag:s20] =	ssyncset.done $0x0  }
0x39: {  	s29 =	simm.s32 $0x1400;
	[sflag:s20] =	ssyncadd.s32 $0xFFFFC000  }
0x3a: {  	[spmem:s2] =	stream.indirect.scatter.add.f32 [tilespmem:s18], [sflag:$0x3], $0x80, s29, s17, $0xb8;
	[tilespmem:$0x1E800] =	vst v63  }
0x3b: {  	_ =	swait.ge [sflag:s15], $0x4000  }
0x3c: {  	[sflag:s15] =	ssyncset.done $0x0  }
0x3d: {  	s30 =	simm.s32 $0x100;
	[sflag:s15] =	ssyncadd.s32 $0xFFFFC000  }
0x3e: {  	[tilespmem:s18], [sflag:$0x1] =	stream.indirect.gather [hbm4b:s5+s17], $0x80, s30, s17, $0xb8;
	[tilespmem:$0x1E800] =	vst v63  }
0x3f: {  	_ =	swait.ge [sflag:s21], $0x4000  }
0x40: {  	[sflag:s21] =	ssyncset.done $0x0  }
0x41: {  	s31 =	simm.s32 $0x1480;
	[sflag:s21] =	ssyncadd.s32 $0xFFFFC000  }
0x42: {  	[spmem:s2] =	stream.indirect.scatter.add.f32 [tilespmem:s19], [sflag:$0x3], $0x80, s31, s17, $0xb8;
	[tilespmem:$0x1E800] =	vst v63  }
0x43: {  	_ =	swait.ge [sflag:s15], $0x4000  }
0x44: {  	[sflag:s15] =	ssyncset.done $0x0  }
0x45: {  	s25 =	simm.s32 $0x400;
	s26 =	simm.s32 $0x180;
	[sflag:s15] =	ssyncadd.s32 $0xFFFFC000  }
.LBB2_8:
0x46: {  	[tilespmem:s19], [sflag:$0x2] =	stream.indirect.gather [hbm4b:s5+s17], $0x80, s26, s17, $0xb8;
	[tilespmem:$0x1E800] =	vst v63  }
0x47: {  	s26 =	smov.u32 s25  }
0x48: {  	p1 =	sne.s32 s25, $0x4800;
	s25 =	sadd.s32 $0x400, s25;
	_ =	swait.ge [sflag:s20], $0x4000  }
0x49: {  	s26 =	sshra.s32 s26, $0x2;
	[sflag:s20] =	ssyncset.done $0x0  }
0x4a: {  	s28 =	sadd.s32 $0x1400, s26;
	[sflag:s20] =	ssyncadd.s32 $0xFFFFC000  }
0x4b: {  	[spmem:s2] =	stream.indirect.scatter.add.f32 [tilespmem:s18], [sflag:$0x3], $0x80, s28, s17, $0xb8;
	[tilespmem:$0x1E800] =	vst v63  }
0x4c: {  	_ =	swait.ge [sflag:s15], $0x4000  }
0x4d: {  	[sflag:s15] =	ssyncset.done $0x0  }
0x4e: {  	s28 =	sadd.s32 $0x100, s26;
	[sflag:s15] =	ssyncadd.s32 $0xFFFFC000  }
0x4f: {  	[tilespmem:s18], [sflag:$0x1] =	stream.indirect.gather [hbm4b:s5+s17], $0x80, s28, s17, $0xb8;
	[tilespmem:$0x1E800] =	vst v63  }
0x50: {  	_ =	swait.ge [sflag:s21], $0x4000  }
0x51: {  	[sflag:s21] =	ssyncset.done $0x0  }
.Ltmp3:
0x52: {  	s28 =	sadd.s32 $0x1480, s26;
	[sflag:s21] =	ssyncadd.s32 $0xFFFFC000;
	(pc) =	sbr.rel @p1 .LBB2_8-.Ltmp3, $4  }
0x53: {  	[spmem:s2] =	stream.indirect.scatter.add.f32 [tilespmem:s19], [sflag:$0x3], $0x80, s28, s17, $0xb8;
	[tilespmem:$0x1E800] =	vst v63  }
0x54: {  	_ =	swait.ge [sflag:s15], $0x4000  }
0x55: {  	[sflag:s15] =	ssyncset.done $0x0  }
0x56: {  	s26 =	sadd.s32 $0x180, s26;
	[sflag:s15] =	ssyncadd.s32 $0xFFFFC000  }
0x57: {  	[tilespmem:s19], [sflag:$0x2] =	stream.indirect.gather [hbm4b:s5+s17], $0x80, s26, s17, $0xb8;
	[tilespmem:$0x1E800] =	vst v63  }
0x58: {  	_ =	swait.ge [sflag:s20], $0x4000  }
0x59: {  	[sflag:s20] =	ssyncset.done $0x0  }
0x5a: {  	[sflag:s20] =	ssyncadd.s32 $0xFFFFC000  }
0x5b: {  	[spmem:s2] =	stream.indirect.scatter.add.f32 [tilespmem:s18], [sflag:$0x3], $0x80, s22, s17, $0xb8;
	[tilespmem:$0x1E800] =	vst v63  }
0x5c: {  	_ =	swait.ge [sflag:s15], $0x4000  }
0x5d: {  	[sflag:s15] =	ssyncset.done $0x0  }
0x5e: {  	[sflag:s15] =	ssyncadd.s32 $0xFFFFC000  }
0x5f: {  	_ =	swait.ge [sflag:s21], $0x4000  }
0x60: {  	[sflag:s21] =	ssyncset.done $0x0  }
0x61: {  	[sflag:s21] =	ssyncadd.s32 $0xFFFFC000  }
0x62: {  	[spmem:s2] =	stream.indirect.scatter.add.f32 [tilespmem:s19], [sflag:$0x3], $0x80, s23, s17, $0xb8;
	[tilespmem:$0x1E800] =	vst v63  }
0x63: {  	_ =	swait.ge [sflag:s15], $0x4000  }
0x64: {  	[sflag:s15] =	ssyncset.done $0x0  }
0x65: {  	s25 =	simm.s32 $0x0;
	[sflag:s15] =	ssyncadd.s32 $0xFFFFC000  }
0x66: {  	[tilespmem:s25], [sflag:$0x3] =	stream.linear.gather [hbm4b:s10+s25], $0x1400, $0x38;
	[tilespmem:$0x1E800] =	vst v63  }
0x67: {  	_ =	swait.ge [sflag:s15], $0x1400  }
0x68: {  	[sflag:s15] =	ssyncset.done $0x0  }
0x69: {  	[sflag:s15] =	ssyncadd.s32 $0xFFFFEC00  }
0x6a: {  	[tilespmem:s16], [sflag:$0x3] =	stream.linear.gather [hbm4b:s11+s25], $0x1400, $0x38;
	[tilespmem:$0x1E800] =	vst v63  }
0x6b: {  	_ =	swait.ge [sflag:s15], $0x1400  }
0x6c: {  	[sflag:s15] =	ssyncset.done $0x0  }
0x6d: {  	[sflag:s15] =	ssyncadd.s32 $0xFFFFEC00  }
0x6e: {  	[tilespmem:s18], [sflag:$0x1] =	stream.indirect.gather [hbm4b:s5+s17], $0x80, s25, s17, $0xb8;
	[tilespmem:$0x1E800] =	vst v63  }
0x6f: {  	_ = 	snop  }
0x70: {  	[tilespmem:s19], [sflag:$0x2] =	stream.indirect.gather [hbm4b:s5+s17], $0x80, s17, s17, $0xb8;
	[tilespmem:$0x1E800] =	vst v63  }
0x71: {  	_ =	swait.ge [sflag:s20], $0x4000  }
0x72: {  	[sflag:s20] =	ssyncset.done $0x0  }
0x73: {  	s29 =	simm.s32 $0x1400;
	[sflag:s20] =	ssyncadd.s32 $0xFFFFC000  }
0x74: {  	[spmem:s2] =	stream.indirect.scatter.add.f32 [tilespmem:s18], [sflag:$0x3], $0x80, s29, s17, $0xb8;
	[tilespmem:$0x1E800] =	vst v63  }
0x75: {  	_ =	swait.ge [sflag:s15], $0x4000  }
0x76: {  	[sflag:s15] =	ssyncset.done $0x0  }
0x77: {  	s30 =	simm.s32 $0x100;
	[sflag:s15] =	ssyncadd.s32 $0xFFFFC000  }
0x78: {  	[tilespmem:s18], [sflag:$0x1] =	stream.indirect.gather [hbm4b:s5+s17], $0x80, s30, s17, $0xb8;
	[tilespmem:$0x1E800] =	vst v63  }
0x79: {  	_ =	swait.ge [sflag:s21], $0x4000  }
0x7a: {  	[sflag:s21] =	ssyncset.done $0x0  }
0x7b: {  	s31 =	simm.s32 $0x1480;
	[sflag:s21] =	ssyncadd.s32 $0xFFFFC000  }
0x7c: {  	[spmem:s2] =	stream.indirect.scatter.add.f32 [tilespmem:s19], [sflag:$0x3], $0x80, s31, s17, $0xb8;
	[tilespmem:$0x1E800] =	vst v63  }
0x7d: {  	_ =	swait.ge [sflag:s15], $0x4000  }
0x7e: {  	[sflag:s15] =	ssyncset.done $0x0  }
0x7f: {  	s26 =	simm.s32 $0x180;
	s25 =	simm.s32 $0x400;
	[sflag:s15] =	ssyncadd.s32 $0xFFFFC000  }
.LBB2_10:
0x80: {  	[tilespmem:s19], [sflag:$0x2] =	stream.indirect.gather [hbm4b:s5+s17], $0x80, s26, s17, $0xb8;
	[tilespmem:$0x1E800] =	vst v63  }
0x81: {  	s26 =	smov.u32 s25  }
0x82: {  	p1 =	sne.s32 s25, $0x4800;
	s25 =	sadd.s32 $0x400, s25;
	_ =	swait.ge [sflag:s20], $0x4000  }
0x83: {  	s26 =	sshra.s32 s26, $0x2;
	[sflag:s20] =	ssyncset.done $0x0  }
0x84: {  	s28 =	sadd.s32 $0x1400, s26;
	[sflag:s20] =	ssyncadd.s32 $0xFFFFC000  }
0x85: {  	[spmem:s2] =	stream.indirect.scatter.add.f32 [tilespmem:s18], [sflag:$0x3], $0x80, s28, s17, $0xb8;
	[tilespmem:$0x1E800] =	vst v63  }
0x86: {  	_ =	swait.ge [sflag:s15], $0x4000  }
0x87: {  	[sflag:s15] =	ssyncset.done $0x0  }
0x88: {  	s28 =	sadd.s32 $0x100, s26;
	[sflag:s15] =	ssyncadd.s32 $0xFFFFC000  }
0x89: {  	[tilespmem:s18], [sflag:$0x1] =	stream.indirect.gather [hbm4b:s5+s17], $0x80, s28, s17, $0xb8;
	[tilespmem:$0x1E800] =	vst v63  }
0x8a: {  	_ =	swait.ge [sflag:s21], $0x4000  }
0x8b: {  	[sflag:s21] =	ssyncset.done $0x0  }
.Ltmp4:
0x8c: {  	s28 =	sadd.s32 $0x1480, s26;
	[sflag:s21] =	ssyncadd.s32 $0xFFFFC000;
	(pc) =	sbr.rel @p1 .LBB2_10-.Ltmp4, $4  }
0x8d: {  	[spmem:s2] =	stream.indirect.scatter.add.f32 [tilespmem:s19], [sflag:$0x3], $0x80, s28, s17, $0xb8;
	[tilespmem:$0x1E800] =	vst v63  }
0x8e: {  	_ =	swait.ge [sflag:s15], $0x4000  }
0x8f: {  	[sflag:s15] =	ssyncset.done $0x0  }
0x90: {  	s26 =	sadd.s32 $0x180, s26;
	[sflag:s15] =	ssyncadd.s32 $0xFFFFC000  }
.Ltmp5:
0x91: {  	_ = 	snop;
	(pc) =	sbr.rel .LBB2_11-.Ltmp5, $1  }
0x92: {  	_ =	sdelay $0x3  }
.LBB2_2:
0x93: {  	[tilespmem:s18], [sflag:$0x1] =	stream.indirect.gather [hbm4b:s1+s17], $0x80, s25, s17, $0xb8;
	[tilespmem:$0x1E800] =	vst v63  }
0x94: {  	_ = 	snop  }
0x95: {  	[tilespmem:s19], [sflag:$0x2] =	stream.indirect.gather [hbm4b:s1+s17], $0x80, s17, s17, $0xb8;
	[tilespmem:$0x1E800] =	vst v63  }
0x96: {  	_ =	swait.ge [sflag:s20], $0x4000  }
0x97: {  	[sflag:s20] =	ssyncset.done $0x0  }
0x98: {  	s29 =	simm.s32 $0x1400;
	[sflag:s20] =	ssyncadd.s32 $0xFFFFC000  }
0x99: {  	[spmem:s2] =	stream.indirect.scatter.add.f32 [tilespmem:s18], [sflag:$0x3], $0x80, s29, s17, $0xb8;
	[tilespmem:$0x1E800] =	vst v63  }
0x9a: {  	_ =	swait.ge [sflag:s15], $0x4000  }
0x9b: {  	[sflag:s15] =	ssyncset.done $0x0  }
0x9c: {  	s30 =	simm.s32 $0x100;
	[sflag:s15] =	ssyncadd.s32 $0xFFFFC000  }
0x9d: {  	[tilespmem:s18], [sflag:$0x1] =	stream.indirect.gather [hbm4b:s1+s17], $0x80, s30, s17, $0xb8;
	[tilespmem:$0x1E800] =	vst v63  }
0x9e: {  	_ =	swait.ge [sflag:s21], $0x4000  }
0x9f: {  	[sflag:s21] =	ssyncset.done $0x0  }
0xa0: {  	s31 =	simm.s32 $0x1480;
	[sflag:s21] =	ssyncadd.s32 $0xFFFFC000  }
0xa1: {  	[spmem:s2] =	stream.indirect.scatter.add.f32 [tilespmem:s19], [sflag:$0x3], $0x80, s31, s17, $0xb8;
	[tilespmem:$0x1E800] =	vst v63  }
0xa2: {  	_ =	swait.ge [sflag:s15], $0x4000  }
0xa3: {  	[sflag:s15] =	ssyncset.done $0x0  }
0xa4: {  	s25 =	simm.s32 $0x400;
	s26 =	simm.s32 $0x180;
	[sflag:s15] =	ssyncadd.s32 $0xFFFFC000  }
.LBB2_3:
0xa5: {  	[tilespmem:s19], [sflag:$0x2] =	stream.indirect.gather [hbm4b:s1+s17], $0x80, s26, s17, $0xb8;
	[tilespmem:$0x1E800] =	vst v63  }
0xa6: {  	s26 =	smov.u32 s25  }
0xa7: {  	p1 =	sne.s32 s25, $0x4800;
	s25 =	sadd.s32 $0x400, s25;
	_ =	swait.ge [sflag:s20], $0x4000  }
0xa8: {  	s26 =	sshra.s32 s26, $0x2;
	[sflag:s20] =	ssyncset.done $0x0  }
0xa9: {  	s28 =	sadd.s32 $0x1400, s26;
	[sflag:s20] =	ssyncadd.s32 $0xFFFFC000  }
0xaa: {  	[spmem:s2] =	stream.indirect.scatter.add.f32 [tilespmem:s18], [sflag:$0x3], $0x80, s28, s17, $0xb8;
	[tilespmem:$0x1E800] =	vst v63  }
0xab: {  	_ =	swait.ge [sflag:s15], $0x4000  }
0xac: {  	[sflag:s15] =	ssyncset.done $0x0  }
0xad: {  	s28 =	sadd.s32 $0x100, s26;
	[sflag:s15] =	ssyncadd.s32 $0xFFFFC000  }
0xae: {  	[tilespmem:s18], [sflag:$0x1] =	stream.indirect.gather [hbm4b:s1+s17], $0x80, s28, s17, $0xb8;
	[tilespmem:$0x1E800] =	vst v63  }
0xaf: {  	_ =	swait.ge [sflag:s21], $0x4000  }
0xb0: {  	[sflag:s21] =	ssyncset.done $0x0  }
.Ltmp6:
0xb1: {  	s28 =	sadd.s32 $0x1480, s26;
	[sflag:s21] =	ssyncadd.s32 $0xFFFFC000;
	(pc) =	sbr.rel @p1 .LBB2_3-.Ltmp6, $4  }
0xb2: {  	[spmem:s2] =	stream.indirect.scatter.add.f32 [tilespmem:s19], [sflag:$0x3], $0x80, s28, s17, $0xb8;
	[tilespmem:$0x1E800] =	vst v63  }
0xb3: {  	_ =	swait.ge [sflag:s15], $0x4000  }
0xb4: {  	[sflag:s15] =	ssyncset.done $0x0  }
0xb5: {  	s26 =	sadd.s32 $0x180, s26;
	[sflag:s15] =	ssyncadd.s32 $0xFFFFC000  }
0xb6: {  	[tilespmem:s19], [sflag:$0x2] =	stream.indirect.gather [hbm4b:s1+s17], $0x80, s26, s17, $0xb8;
	[tilespmem:$0x1E800] =	vst v63  }
0xb7: {  	_ =	swait.ge [sflag:s20], $0x4000  }
0xb8: {  	[sflag:s20] =	ssyncset.done $0x0  }
0xb9: {  	[sflag:s20] =	ssyncadd.s32 $0xFFFFC000  }
0xba: {  	[spmem:s2] =	stream.indirect.scatter.add.f32 [tilespmem:s18], [sflag:$0x3], $0x80, s22, s17, $0xb8;
	[tilespmem:$0x1E800] =	vst v63  }
0xbb: {  	_ =	swait.ge [sflag:s15], $0x4000  }
0xbc: {  	[sflag:s15] =	ssyncset.done $0x0  }
0xbd: {  	[sflag:s15] =	ssyncadd.s32 $0xFFFFC000  }
0xbe: {  	_ =	swait.ge [sflag:s21], $0x4000  }
0xbf: {  	[sflag:s21] =	ssyncset.done $0x0  }
0xc0: {  	[sflag:s21] =	ssyncadd.s32 $0xFFFFC000  }
0xc1: {  	[spmem:s2] =	stream.indirect.scatter.add.f32 [tilespmem:s19], [sflag:$0x3], $0x80, s23, s17, $0xb8;
	[tilespmem:$0x1E800] =	vst v63  }
0xc2: {  	_ =	swait.ge [sflag:s15], $0x4000  }
0xc3: {  	[sflag:s15] =	ssyncset.done $0x0  }
0xc4: {  	s25 =	simm.s32 $0x0;
	[sflag:s15] =	ssyncadd.s32 $0xFFFFC000  }
0xc5: {  	[tilespmem:s25], [sflag:$0x3] =	stream.linear.gather [hbm4b:s10+s25], $0x1400, $0x38;
	[tilespmem:$0x1E800] =	vst v63  }
0xc6: {  	_ =	swait.ge [sflag:s15], $0x1400  }
0xc7: {  	[sflag:s15] =	ssyncset.done $0x0  }
0xc8: {  	[sflag:s15] =	ssyncadd.s32 $0xFFFFEC00  }
0xc9: {  	[tilespmem:s16], [sflag:$0x3] =	stream.linear.gather [hbm4b:s11+s25], $0x1400, $0x38;
	[tilespmem:$0x1E800] =	vst v63  }
0xca: {  	_ =	swait.ge [sflag:s15], $0x1400  }
0xcb: {  	[sflag:s15] =	ssyncset.done $0x0  }
0xcc: {  	[sflag:s15] =	ssyncadd.s32 $0xFFFFEC00  }
0xcd: {  	[tilespmem:s18], [sflag:$0x1] =	stream.indirect.gather [hbm4b:s1+s17], $0x80, s25, s17, $0xb8;
	[tilespmem:$0x1E800] =	vst v63  }
0xce: {  	_ = 	snop  }
0xcf: {  	[tilespmem:s19], [sflag:$0x2] =	stream.indirect.gather [hbm4b:s1+s17], $0x80, s17, s17, $0xb8;
	[tilespmem:$0x1E800] =	vst v63  }
0xd0: {  	_ =	swait.ge [sflag:s20], $0x4000  }
0xd1: {  	[sflag:s20] =	ssyncset.done $0x0  }
0xd2: {  	s29 =	simm.s32 $0x1400;
	[sflag:s20] =	ssyncadd.s32 $0xFFFFC000  }
0xd3: {  	[spmem:s2] =	stream.indirect.scatter.add.f32 [tilespmem:s18], [sflag:$0x3], $0x80, s29, s17, $0xb8;
	[tilespmem:$0x1E800] =	vst v63  }
0xd4: {  	_ =	swait.ge [sflag:s15], $0x4000  }
0xd5: {  	[sflag:s15] =	ssyncset.done $0x0  }
0xd6: {  	s30 =	simm.s32 $0x100;
	[sflag:s15] =	ssyncadd.s32 $0xFFFFC000  }
0xd7: {  	[tilespmem:s18], [sflag:$0x1] =	stream.indirect.gather [hbm4b:s1+s17], $0x80, s30, s17, $0xb8;
	[tilespmem:$0x1E800] =	vst v63  }
0xd8: {  	_ =	swait.ge [sflag:s21], $0x4000  }
0xd9: {  	[sflag:s21] =	ssyncset.done $0x0  }
0xda: {  	s31 =	simm.s32 $0x1480;
	[sflag:s21] =	ssyncadd.s32 $0xFFFFC000  }
0xdb: {  	[spmem:s2] =	stream.indirect.scatter.add.f32 [tilespmem:s19], [sflag:$0x3], $0x80, s31, s17, $0xb8;
	[tilespmem:$0x1E800] =	vst v63  }
0xdc: {  	_ =	swait.ge [sflag:s15], $0x4000  }
0xdd: {  	[sflag:s15] =	ssyncset.done $0x0  }
0xde: {  	s26 =	simm.s32 $0x180;
	s25 =	simm.s32 $0x400;
	[sflag:s15] =	ssyncadd.s32 $0xFFFFC000  }
.LBB2_5:
0xdf: {  	[tilespmem:s19], [sflag:$0x2] =	stream.indirect.gather [hbm4b:s1+s17], $0x80, s26, s17, $0xb8;
	[tilespmem:$0x1E800] =	vst v63  }
0xe0: {  	s26 =	smov.u32 s25  }
0xe1: {  	p1 =	seq.s32 s25, $0x4800;
	s25 =	sadd.s32 $0x400, s25;
	_ =	swait.ge [sflag:s20], $0x4000  }
0xe2: {  	s26 =	sshra.s32 s26, $0x2;
	[sflag:s20] =	ssyncset.done $0x0  }
0xe3: {  	s28 =	sadd.s32 $0x1400, s26;
	[sflag:s20] =	ssyncadd.s32 $0xFFFFC000  }
0xe4: {  	[spmem:s2] =	stream.indirect.scatter.add.f32 [tilespmem:s18], [sflag:$0x3], $0x80, s28, s17, $0xb8;
	[tilespmem:$0x1E800] =	vst v63  }
0xe5: {  	_ =	swait.ge [sflag:s15], $0x4000  }
0xe6: {  	[sflag:s15] =	ssyncset.done $0x0  }
0xe7: {  	s28 =	sadd.s32 $0x100, s26;
	[sflag:s15] =	ssyncadd.s32 $0xFFFFC000  }
0xe8: {  	[tilespmem:s18], [sflag:$0x1] =	stream.indirect.gather [hbm4b:s1+s17], $0x80, s28, s17, $0xb8;
	[tilespmem:$0x1E800] =	vst v63  }
0xe9: {  	_ =	swait.ge [sflag:s21], $0x4000  }
0xea: {  	[sflag:s21] =	ssyncset.done $0x0  }
.Ltmp7:
0xeb: {  	s28 =	sadd.s32 $0x1480, s26;
	[sflag:s21] =	ssyncadd.s32 $0xFFFFC000;
	(pc) =	sbr.rel @!p1 .LBB2_5-.Ltmp7, $4  }
0xec: {  	[spmem:s2] =	stream.indirect.scatter.add.f32 [tilespmem:s19], [sflag:$0x3], $0x80, s28, s17, $0xb8;
	[tilespmem:$0x1E800] =	vst v63  }
0xed: {  	_ =	swait.ge [sflag:s15], $0x4000  }
0xee: {  	[sflag:s15] =	ssyncset.done $0x0  }
0xef: {  	s26 =	sadd.s32 $0x180, s26;
	[sflag:s15] =	ssyncadd.s32 $0xFFFFC000  }
.Ltmp8:
0xf0: {  	(pc) =	sbr.rel .LBB2_12-.Ltmp8, $2  }
0xf1: {  	_ =	sdelay $0x2  }
0xf2: {  	[tilespmem:s19], [sflag:$0x2] =	stream.indirect.gather [hbm4b:s1+s17], $0x80, s26, s17, $0xb8;
	[tilespmem:$0x1E800] =	vst v63  }
.LBB2_13:
0xf3: {  	_ =	sfence.sel $0x180000  }
0xf4: {  	[bflag:$0x0] =	sbarrier.arrive $0xFFFF  }
0xf5: {  	p0 =	sne.s32 s3, $0x0;
	_ =	strace $0x9000004A  }
0xf6: {  	s0 =	sadd.s32 @!p0 $0x100000, s0;
	[bflag:$0x2] =	sbarrier.arrive $0xFFFF  }
0xf7: {  	[sflag:s0] =	ssyncadd.tile.s32 @!p0 $0x1;
	_ =	shalt  }
.Lfunc_end2:
_tile_overlayer_lowered:
.L_overlay_start_2:
0xf8: {  	(tag) =	ssettag $0x2  }
0xf9: {  	s0 =	rddreg [dreg:$0x0];
	s2 =	stileid.u32  }
0xfa: {  	s1 =	rddreg [dreg:$0x1];
	p0 =	sne.s32 s2, $0x0  }
0xfb: {  	s3 =	rddreg [dreg:$0x2];
	[bflag:$0x3] =	sbarrier.arrive $0xFFFF;
	s2 =	simm.s32 @!p0 $0x1C03  }
0xfc: {  	[timem:s3], [sflag:s2] =	dma.local @!p0 [hbm:s0], s1  }
0xfd: {  	s0 =	simm.s32 @!p0 $0x3  }
0xfe: {  	_ =	swait.ge @!p0 [sflag:s0], s1  }
0xff: {  	s1 =	ssub.s32 @!p0 $0x0, s1;
	[sflag:s0] =	ssyncset.done @!p0 $0x0  }
0x100: {  	[sflag:s0] =	ssyncadd.s32 @!p0 s1  }
0x101: {  	[bflag:$0x3] =	sbarrier.arrive $0xFFFF  }
0x102: {  	_ =	shalt  }

</sc_bundles>
